<compile_context>
chip_gen: v7x
topology: tpu7x:2x2x1
jax: 0.10.2.dev20260603
libtpu: 0.0.44.dev20260713+nightly
codegen_flags: <defaults>
</compile_context>

<pallas_src>
import functools

import jax
import jax.numpy as jnp
from jax import lax
from jax.experimental import pallas as pl
from jax.experimental.pallas import tpu as pltpu
from jax.experimental.pallas import tpu_sc as plsc

_VOCAB = 1000000
_EMB = 64
_ENC = 64
_BS = 512
_DEPTH = 5
_NNODES = 2 ** _DEPTH - 1

_NC = 2
_NS = 16
_NW = _NC * _NS
_CHUNK = 128
_CHUNKS_PER_W = 4
_ROWS_PER_W = _CHUNK * _CHUNKS_PER_W
_ROWS_PAD = _NW * _ROWS_PER_W


def _sc_gather(table, idx):
    mesh = plsc.VectorSubcoreMesh(core_axis_name="c", subcore_axis_name="s")

    @functools.partial(
        pl.kernel,
        out_type=jax.ShapeDtypeStruct((_ROWS_PAD, 2 * _EMB), jnp.float32),
        mesh=mesh,
        scratch_types=[
            pltpu.VMEM((_CHUNKS_PER_W, _CHUNK), jnp.int32),
            pltpu.VMEM((_ROWS_PER_W, 2 * _EMB), jnp.float32),
            pltpu.SemaphoreType.DMA,
        ],
    )
    def k(table_hbm, idx_hbm, out_hbm, idx_v, rows_v, sem):
        wid = lax.axis_index("s") * _NC + lax.axis_index("c")
        pltpu.sync_copy(idx_hbm.at[wid], idx_v)
        copies = []
        for j in range(_CHUNKS_PER_W):
            copies.append(
                pltpu.async_copy(
                    table_hbm.at[idx_v.at[j]],
                    rows_v.at[pl.ds(j * _CHUNK, _CHUNK)],
                    sem,
                )
            )
        for c in copies:
            c.wait()
        pltpu.sync_copy(rows_v, out_hbm.at[pl.ds(wid * _ROWS_PER_W, _ROWS_PER_W)])

    return k(table, idx)


def _tree_body(g_ref, par_ref, wih_ref, whh_ref, bih_ref, bhh_ref, sw_ref,
               sb_ref, cw_ref, out_ref):
    wih = wih_ref[...]
    whh = whh_ref[...]
    bih = bih_ref[...]
    bhh = bhh_ref[...]
    sw = sw_ref[...]
    sb = sb_ref[...]
    cw = cw_ref[...]

    E = _ENC
    h_prev = None
    acc = None
    for l in range(_DEPTH - 1, -1, -1):
        n = 1 << l
        start = (n - 1) * _BS
        g = g_ref[pl.ds(start, n * _BS), :]
        par = par_ref[pl.ds(start, n * _BS), :]
        emb = jnp.where(par == 1, g[:, E:], g[:, :E])
        gi = jnp.dot(emb, wih, preferred_element_type=jnp.float32) + bih
        if l == _DEPTH - 1:
            gh = jnp.broadcast_to(bhh, (n * _BS, 3 * E))
            h0 = None
        else:
            hp = h_prev
            w1 = jnp.tanh(jnp.dot(hp, sw, preferred_element_type=jnp.float32) + sb)
            t4 = (w1 * cw).reshape(n, 2, _BS, E)
            s = jnp.tanh(jnp.sum(t4, axis=-1, keepdims=True))
            s0 = s[:, 0]
            s1 = s[:, 1]
            a0 = jax.nn.sigmoid(s0 - s1)
            a1 = jax.nn.sigmoid(s1 - s0)
            ch = hp.reshape(n, 2, _BS, E)
            h0 = (ch[:, 0] * a0 + ch[:, 1] * a1).reshape(n * _BS, E)
            gh = jnp.dot(h0, whh, preferred_element_type=jnp.float32) + bhh
        r = jax.nn.sigmoid(gi[:, :E] + gh[:, :E])
        z = jax.nn.sigmoid(gi[:, E:2 * E] + gh[:, E:2 * E])
        c = jnp.tanh(gi[:, 2 * E:] + r * gh[:, 2 * E:])
        if l == _DEPTH - 1:
            h = (1.0 - z) * c
        else:
            h = (1.0 - z) * c + z * h0
        lvl_max = jnp.max(h.reshape(n, _BS, E), axis=0)
        acc = lvl_max if acc is None else jnp.maximum(acc, lvl_max)
        h_prev = h
    out_ref[...] = acc


def _tc_compute(gathered, parity, wih_t, whh_t, bih2, bhh2, sw, sb, cw_t,
                interpret=False):
    return pl.pallas_call(
        _tree_body,
        out_shape=jax.ShapeDtypeStruct((_BS, _ENC), jnp.float32),
        interpret=interpret,
    )(gathered, parity, wih_t, whh_t, bih2, bhh2, sw, sb, cw_t)


def kernel(tokens, embedding, W_ih, W_hh, b_ih, b_hh, sent_weight, sent_bias,
           context_weight):
    flat = tokens.astype(jnp.int32).T.reshape(-1)
    flat = jnp.concatenate(
        [flat, jnp.zeros((_ROWS_PAD - _NNODES * _BS,), jnp.int32)])
    idx = flat.reshape(_NW, _CHUNKS_PER_W, _CHUNK)
    parity = jnp.zeros((_ROWS_PAD, 1), jnp.int32)
    table = jnp.pad(embedding, ((0, 0), (0, _EMB)))
    gathered = _sc_gather(table, idx)
    return _tc_compute(
        gathered, parity,
        W_ih.T, W_hh.T,
        b_ih.reshape(1, -1), b_hh.reshape(1, -1),
        sent_weight, sent_bias,
        context_weight.reshape(1, -1),
    )

# --- scband reference (transcript-rebuilt; emitter-appended) ---
"""Pipeline reference for scband-batch-tree-encoder-40389872451852 (READ-ONLY COPY).

The authoritative reference and input builder live on the scoring server;
editing this copy changes nothing except your own understanding.
"""

import jax, jax.numpy as jnp
import numpy as np

VOCAB = 1000000
EMB = 64
ENC = 64
BS = 512
BRANCH = 2
DEPTH = 5
NNODES = 2 ** DEPTH - 1  # 31 nodes, complete binary tree in BFS order


def setup_inputs(seed: int = 0) -> dict:
    key = jax.random.key(seed)
    ks = jax.random.split(key, 9)
    tokens = jax.random.randint(ks[0], (BS, NNODES), 0, VOCAB)
    embedding = jax.random.normal(ks[1], (VOCAB, EMB), dtype=jnp.float32) * 0.05
    W_ih = jax.random.normal(ks[2], (3 * ENC, EMB), dtype=jnp.float32) * 0.05
    W_hh = jax.random.normal(ks[3], (3 * ENC, ENC), dtype=jnp.float32) * 0.05
    b_ih = jax.random.normal(ks[4], (3 * ENC,), dtype=jnp.float32) * 0.05
    b_hh = jax.random.normal(ks[5], (3 * ENC,), dtype=jnp.float32) * 0.05
    sent_weight = jax.random.normal(ks[6], (ENC, ENC), dtype=jnp.float32) * 0.05
    sent_bias = jax.random.normal(ks[7], (1, ENC), dtype=jnp.float32) * 0.05
    context_weight = jax.random.normal(ks[8], (ENC, 1), dtype=jnp.float32) * 0.05
    return {"tokens": tokens, "embedding": embedding, "W_ih": W_ih, "W_hh": W_hh,
            "b_ih": b_ih, "b_hh": b_hh, "sent_weight": sent_weight,
            "sent_bias": sent_bias, "context_weight": context_weight}


def _forward(tokens, embedding, W_ih, W_hh, b_ih, b_hh, sent_weight, sent_bias, context_weight):
    node_list = []

    def gru_step(x, h):
        # single-timestep torch.nn.GRU semantics
        gi = x @ W_ih.T + b_ih
        gh = h @ W_hh.T + b_hh
        i_r, i_z, i_n = jnp.split(gi, 3, axis=-1)
        h_r, h_z, h_n = jnp.split(gh, 3, axis=-1)
        r = jax.nn.sigmoid(i_r + h_r)
        z = jax.nn.sigmoid(i_z + h_z)
        n = jnp.tanh(i_n + r * h_n)
        return (1.0 - z) * n + z * h

    def traverse(node_idx, depth):
        # embedding lookup for the current tree level's tokens (all batch elems present)
        emb = jnp.take(embedding, tokens[:, node_idx], axis=0)  # [BS, EMB]
        if depth < DEPTH - 1:
            child_h = [traverse(node_idx * BRANCH + 1 + c, depth + 1) for c in range(BRANCH)]
            ch = jnp.stack(child_h, axis=0)  # [C, BS, ENC]
            # matrix_mul(child_hiddens, sent_weight, sent_bias): tanh(mm + bias)
            w1 = jnp.tanh(ch @ sent_weight + sent_bias)  # [C, BS, ENC]
            # matrix_mul(.., context_weight): tanh(mm) then squeeze(-1)
            w2 = jnp.tanh(w1 @ context_weight)[..., 0]  # [C, BS]
            # permute(1,0) -> softmax over children -> permute back
            att = jax.nn.softmax(w2.T, axis=-1).T  # [C, BS]
            # element_wise_mul: sum_c child_hiddens[c] * att[c]
            h0 = jnp.sum(ch * att[:, :, None], axis=0)  # [BS, ENC]
        else:
            h0 = jnp.zeros((tokens.shape[0], ENC), dtype=embedding.dtype)
        hn = gru_step(emb, h0)
        node_list.append(hn)  # batch_node.index_copy over full batch == hn
        return hn

    traverse(0, 0)
    stacked = jnp.stack(node_list, axis=0)  # [NNODES, BS, ENC]
    return jnp.max(stacked, axis=0)  # torch.max(node_list_stacked, 0)[0]


def reference(tokens, embedding, W_ih, W_hh, b_ih, b_hh, sent_weight, sent_bias, context_weight):
    return _forward(tokens, embedding, W_ih, W_hh, b_ih, b_hh, sent_weight, sent_bias, context_weight)

if __name__ == "__main__":
    import jax
    _d = setup_inputs()
    print(jax.jit(kernel)(*tuple(_d.values())))

</pallas_src>

<mosaic_0001>
#map = affine_map<(d0, d1) -> (0, 0)>
#map1 = affine_map<(d0, d1) -> (0, 0, 0)>
module attributes {stable_mosaic.version = 14 : i64} {
  func.func @k(%arg0: i32, %arg1: i32, %arg2: memref<1000000x128xf32, #tpu.memory_space<hbm>>, %arg3: memref<32x4x128xi32, #tpu.memory_space<hbm>>, %arg4: memref<16384x128xf32, #tpu.memory_space<hbm>>, %arg5: memref<4x128xi32, #tpu.memory_space<vmem>>, %arg6: memref<512x128xf32, #tpu.memory_space<vmem>>, %arg7: memref<!tpu.dma_semaphore, #tpu.memory_space<semaphore_mem>>) attributes {dimension_semantics = [#tpu.dimension_semantics<core_parallel>, #tpu.dimension_semantics<subcore_parallel>], iteration_bounds = array<i64: 2, 16>, scalar_prefetch = 0 : i64, scratch_operands = 3 : i64, tpu.core_type = #tpu.core_type<sc_vector_subcore>, window_params = [{transform_indices = #map}, {transform_indices = #map1}, {transform_indices = #map}]} {
    %mul3A = arith.constant 2 : i32
    %mul3A_0 = arith.muli %arg1, %mul3A : i32
    %add3A = arith.addi %mul3A_0, %arg0 : i32
    "tpu.region"() ({
      %run_scoped3A = tpu.sem_alloc : memref<!tpu.dma_semaphore, #tpu.memory_space<semaphore_mem>>
      %dma_start3A_81 = arith.constant 0 : i32
      %dma_start3A_82 = arith.constant 0 : i32
      %dma_start3A_83 = tpu.memref_slice %arg3[%add3A, %dma_start3A_81, %dma_start3A_82] : memref<32x4x128xi32, #tpu.memory_space<hbm>> -> memref<1x4x128xi32, #tpu.memory_space<hbm>>
      %dma_start3A_84 = tpu.memref_squeeze %dma_start3A_83 : memref<1x4x128xi32, #tpu.memory_space<hbm>> -> memref<4x128xi32, #tpu.memory_space<hbm>>
      %dma_start3A_85 = arith.constant 0 : i32
      %dma_start3A_86 = arith.constant 0 : i32
      %dma_start3A_87 = tpu.memref_slice %arg3[%add3A, %dma_start3A_85, %dma_start3A_86] : memref<32x4x128xi32, #tpu.memory_space<hbm>> -> memref<1x4x128xi32, #tpu.memory_space<hbm>>
      %dma_start3A_88 = tpu.memref_squeeze %dma_start3A_87 : memref<1x4x128xi32, #tpu.memory_space<hbm>> -> memref<4x128xi32, #tpu.memory_space<hbm>>
      tpu.enqueue_dma source(%dma_start3A_88 : memref<4x128xi32, #tpu.memory_space<hbm>>) target(%arg5 : memref<4x128xi32, #tpu.memory_space<vmem>>) target_semaphore(%run_scoped3A : memref<!tpu.dma_semaphore, #tpu.memory_space<semaphore_mem>>)
      %dma_wait3A_89 = arith.constant 0 : i32
      %dma_wait3A_90 = arith.constant 0 : i32
      %dma_wait3A_91 = tpu.memref_slice %arg3[%add3A, %dma_wait3A_89, %dma_wait3A_90] : memref<32x4x128xi32, #tpu.memory_space<hbm>> -> memref<1x4x128xi32, #tpu.memory_space<hbm>>
      %dma_wait3A_92 = tpu.memref_squeeze %dma_wait3A_91 : memref<1x4x128xi32, #tpu.memory_space<hbm>> -> memref<4x128xi32, #tpu.memory_space<hbm>>
      %dma_wait3A_93 = arith.constant 0 : i32
      %dma_wait3A_94 = arith.constant 0 : i32
      %dma_wait3A_95 = tpu.memref_slice %arg3[%add3A, %dma_wait3A_93, %dma_wait3A_94] : memref<32x4x128xi32, #tpu.memory_space<hbm>> -> memref<1x4x128xi32, #tpu.memory_space<hbm>>
      %dma_wait3A_96 = tpu.memref_squeeze %dma_wait3A_95 : memref<1x4x128xi32, #tpu.memory_space<hbm>> -> memref<4x128xi32, #tpu.memory_space<hbm>>
      tpu.wait_dma2 semaphore(%run_scoped3A : memref<!tpu.dma_semaphore, #tpu.memory_space<semaphore_mem>>) src(%dma_wait3A_96 : memref<4x128xi32, #tpu.memory_space<hbm>>) dst(%arg5 : memref<4x128xi32, #tpu.memory_space<vmem>>)
      tpu.yield
    }) : () -> ()
    %dma_start3A = arith.constant 0 : i32
    %dma_start3A_1 = arith.constant 0 : i32
    %dma_start3A_2 = arith.constant 0 : i32
    %dma_start3A_3 = tpu.memref_slice %arg6[%dma_start3A_1, %dma_start3A_2] : memref<512x128xf32, #tpu.memory_space<vmem>> -> memref<128x128xf32, #tpu.memory_space<vmem>>
    %dma_start3A_4 = arith.constant 0 : i32
    %dma_start3A_5 = tpu.memref_slice %arg5[%dma_start3A, %dma_start3A_4] : memref<4x128xi32, #tpu.memory_space<vmem>> -> memref<1x128xi32, #tpu.memory_space<vmem>>
    %dma_start3A_6 = tpu.memref_squeeze %dma_start3A_5 : memref<1x128xi32, #tpu.memory_space<vmem>> -> memref<128xi32, #tpu.memory_space<vmem>>
    %dma_start3A_7 = arith.constant 0 : i32
    %dma_start3A_8 = arith.constant 0 : i32
    %dma_start3A_9 = tpu.memref_slice %arg2[%dma_start3A_7, %dma_start3A_8] : memref<1000000x128xf32, #tpu.memory_space<hbm>> -> memref<1000000x128xf32, #tpu.memory_space<hbm>>
    tpu.enqueue_indirect_dma source(%dma_start3A_9 : memref<1000000x128xf32, #tpu.memory_space<hbm>>) target(%dma_start3A_3 : memref<128x128xf32, #tpu.memory_space<vmem>>) offsets(%dma_start3A_6 : memref<128xi32, #tpu.memory_space<vmem>>) semaphore(%arg7 : memref<!tpu.dma_semaphore, #tpu.memory_space<semaphore_mem>>)
    %dma_start3A_10 = arith.constant 1 : i32
    %dma_start3A_11 = arith.constant 128 : i32
    %dma_start3A_12 = arith.constant 0 : i32
    %dma_start3A_13 = tpu.memref_slice %arg6[%dma_start3A_11, %dma_start3A_12] : memref<512x128xf32, #tpu.memory_space<vmem>> -> memref<128x128xf32, #tpu.memory_space<vmem>>
    %dma_start3A_14 = arith.constant 0 : i32
    %dma_start3A_15 = tpu.memref_slice %arg5[%dma_start3A_10, %dma_start3A_14] : memref<4x128xi32, #tpu.memory_space<vmem>> -> memref<1x128xi32, #tpu.memory_space<vmem>>
    %dma_start3A_16 = tpu.memref_squeeze %dma_start3A_15 : memref<1x128xi32, #tpu.memory_space<vmem>> -> memref<128xi32, #tpu.memory_space<vmem>>
    %dma_start3A_17 = arith.constant 0 : i32
    %dma_start3A_18 = arith.constant 0 : i32
    %dma_start3A_19 = tpu.memref_slice %arg2[%dma_start3A_17, %dma_start3A_18] : memref<1000000x128xf32, #tpu.memory_space<hbm>> -> memref<1000000x128xf32, #tpu.memory_space<hbm>>
    tpu.enqueue_indirect_dma source(%dma_start3A_19 : memref<1000000x128xf32, #tpu.memory_space<hbm>>) target(%dma_start3A_13 : memref<128x128xf32, #tpu.memory_space<vmem>>) offsets(%dma_start3A_16 : memref<128xi32, #tpu.memory_space<vmem>>) semaphore(%arg7 : memref<!tpu.dma_semaphore, #tpu.memory_space<semaphore_mem>>)
    %dma_start3A_20 = arith.constant 2 : i32
    %dma_start3A_21 = arith.constant 256 : i32
    %dma_start3A_22 = arith.constant 0 : i32
    %dma_start3A_23 = tpu.memref_slice %arg6[%dma_start3A_21, %dma_start3A_22] : memref<512x128xf32, #tpu.memory_space<vmem>> -> memref<128x128xf32, #tpu.memory_space<vmem>>
    %dma_start3A_24 = arith.constant 0 : i32
    %dma_start3A_25 = tpu.memref_slice %arg5[%dma_start3A_20, %dma_start3A_24] : memref<4x128xi32, #tpu.memory_space<vmem>> -> memref<1x128xi32, #tpu.memory_space<vmem>>
    %dma_start3A_26 = tpu.memref_squeeze %dma_start3A_25 : memref<1x128xi32, #tpu.memory_space<vmem>> -> memref<128xi32, #tpu.memory_space<vmem>>
    %dma_start3A_27 = arith.constant 0 : i32
    %dma_start3A_28 = arith.constant 0 : i32
    %dma_start3A_29 = tpu.memref_slice %arg2[%dma_start3A_27, %dma_start3A_28] : memref<1000000x128xf32, #tpu.memory_space<hbm>> -> memref<1000000x128xf32, #tpu.memory_space<hbm>>
    tpu.enqueue_indirect_dma source(%dma_start3A_29 : memref<1000000x128xf32, #tpu.memory_space<hbm>>) target(%dma_start3A_23 : memref<128x128xf32, #tpu.memory_space<vmem>>) offsets(%dma_start3A_26 : memref<128xi32, #tpu.memory_space<vmem>>) semaphore(%arg7 : memref<!tpu.dma_semaphore, #tpu.memory_space<semaphore_mem>>)
    %dma_start3A_30 = arith.constant 3 : i32
    %dma_start3A_31 = arith.constant 384 : i32
    %dma_start3A_32 = arith.constant 0 : i32
    %dma_start3A_33 = tpu.memref_slice %arg6[%dma_start3A_31, %dma_start3A_32] : memref<512x128xf32, #tpu.memory_space<vmem>> -> memref<128x128xf32, #tpu.memory_space<vmem>>
    %dma_start3A_34 = arith.constant 0 : i32
    %dma_start3A_35 = tpu.memref_slice %arg5[%dma_start3A_30, %dma_start3A_34] : memref<4x128xi32, #tpu.memory_space<vmem>> -> memref<1x128xi32, #tpu.memory_space<vmem>>
    %dma_start3A_36 = tpu.memref_squeeze %dma_start3A_35 : memref<1x128xi32, #tpu.memory_space<vmem>> -> memref<128xi32, #tpu.memory_space<vmem>>
    %dma_start3A_37 = arith.constant 0 : i32
    %dma_start3A_38 = arith.constant 0 : i32
    %dma_start3A_39 = tpu.memref_slice %arg2[%dma_start3A_37, %dma_start3A_38] : memref<1000000x128xf32, #tpu.memory_space<hbm>> -> memref<1000000x128xf32, #tpu.memory_space<hbm>>
    tpu.enqueue_indirect_dma source(%dma_start3A_39 : memref<1000000x128xf32, #tpu.memory_space<hbm>>) target(%dma_start3A_33 : memref<128x128xf32, #tpu.memory_space<vmem>>) offsets(%dma_start3A_36 : memref<128xi32, #tpu.memory_space<vmem>>) semaphore(%arg7 : memref<!tpu.dma_semaphore, #tpu.memory_space<semaphore_mem>>)
    %dma_wait3A = arith.constant 0 : i32
    %dma_wait3A_40 = arith.constant 0 : i32
    %dma_wait3A_41 = arith.constant 0 : i32
    %dma_wait3A_42 = tpu.memref_slice %arg6[%dma_wait3A_40, %dma_wait3A_41] : memref<512x128xf32, #tpu.memory_space<vmem>> -> memref<128x128xf32, #tpu.memory_space<vmem>>
    %dma_wait3A_43 = arith.constant 0 : i32
    %dma_wait3A_44 = tpu.memref_slice %arg5[%dma_wait3A, %dma_wait3A_43] : memref<4x128xi32, #tpu.memory_space<vmem>> -> memref<1x128xi32, #tpu.memory_space<vmem>>
    %dma_wait3A_45 = tpu.memref_squeeze %dma_wait3A_44 : memref<1x128xi32, #tpu.memory_space<vmem>> -> memref<128xi32, #tpu.memory_space<vmem>>
    %dma_wait3A_46 = arith.constant 0 : i32
    %dma_wait3A_47 = arith.constant 0 : i32
    %dma_wait3A_48 = tpu.memref_slice %arg2[%dma_wait3A_46, %dma_wait3A_47] : memref<1000000x128xf32, #tpu.memory_space<hbm>> -> memref<1000000x128xf32, #tpu.memory_space<hbm>>
    tpu.wait_indirect_dma semaphore(%arg7 : memref<!tpu.dma_semaphore, #tpu.memory_space<semaphore_mem>>) src(%dma_wait3A_48 : memref<1000000x128xf32, #tpu.memory_space<hbm>>) dst(%dma_wait3A_42 : memref<128x128xf32, #tpu.memory_space<vmem>>)
    %dma_wait3A_49 = arith.constant 1 : i32
    %dma_wait3A_50 = arith.constant 128 : i32
    %dma_wait3A_51 = arith.constant 0 : i32
    %dma_wait3A_52 = tpu.memref_slice %arg6[%dma_wait3A_50, %dma_wait3A_51] : memref<512x128xf32, #tpu.memory_space<vmem>> -> memref<128x128xf32, #tpu.memory_space<vmem>>
    %dma_wait3A_53 = arith.constant 0 : i32
    %dma_wait3A_54 = tpu.memref_slice %arg5[%dma_wait3A_49, %dma_wait3A_53] : memref<4x128xi32, #tpu.memory_space<vmem>> -> memref<1x128xi32, #tpu.memory_space<vmem>>
    %dma_wait3A_55 = tpu.memref_squeeze %dma_wait3A_54 : memref<1x128xi32, #tpu.memory_space<vmem>> -> memref<128xi32, #tpu.memory_space<vmem>>
    %dma_wait3A_56 = arith.constant 0 : i32
    %dma_wait3A_57 = arith.constant 0 : i32
    %dma_wait3A_58 = tpu.memref_slice %arg2[%dma_wait3A_56, %dma_wait3A_57] : memref<1000000x128xf32, #tpu.memory_space<hbm>> -> memref<1000000x128xf32, #tpu.memory_space<hbm>>
    tpu.wait_indirect_dma semaphore(%arg7 : memref<!tpu.dma_semaphore, #tpu.memory_space<semaphore_mem>>) src(%dma_wait3A_58 : memref<1000000x128xf32, #tpu.memory_space<hbm>>) dst(%dma_wait3A_52 : memref<128x128xf32, #tpu.memory_space<vmem>>)
    %dma_wait3A_59 = arith.constant 2 : i32
    %dma_wait3A_60 = arith.constant 256 : i32
    %dma_wait3A_61 = arith.constant 0 : i32
    %dma_wait3A_62 = tpu.memref_slice %arg6[%dma_wait3A_60, %dma_wait3A_61] : memref<512x128xf32, #tpu.memory_space<vmem>> -> memref<128x128xf32, #tpu.memory_space<vmem>>
    %dma_wait3A_63 = arith.constant 0 : i32
    %dma_wait3A_64 = tpu.memref_slice %arg5[%dma_wait3A_59, %dma_wait3A_63] : memref<4x128xi32, #tpu.memory_space<vmem>> -> memref<1x128xi32, #tpu.memory_space<vmem>>
    %dma_wait3A_65 = tpu.memref_squeeze %dma_wait3A_64 : memref<1x128xi32, #tpu.memory_space<vmem>> -> memref<128xi32, #tpu.memory_space<vmem>>
    %dma_wait3A_66 = arith.constant 0 : i32
    %dma_wait3A_67 = arith.constant 0 : i32
    %dma_wait3A_68 = tpu.memref_slice %arg2[%dma_wait3A_66, %dma_wait3A_67] : memref<1000000x128xf32, #tpu.memory_space<hbm>> -> memref<1000000x128xf32, #tpu.memory_space<hbm>>
    tpu.wait_indirect_dma semaphore(%arg7 : memref<!tpu.dma_semaphore, #tpu.memory_space<semaphore_mem>>) src(%dma_wait3A_68 : memref<1000000x128xf32, #tpu.memory_space<hbm>>) dst(%dma_wait3A_62 : memref<128x128xf32, #tpu.memory_space<vmem>>)
    %dma_wait3A_69 = arith.constant 3 : i32
    %dma_wait3A_70 = arith.constant 384 : i32
    %dma_wait3A_71 = arith.constant 0 : i32
    %dma_wait3A_72 = tpu.memref_slice %arg6[%dma_wait3A_70, %dma_wait3A_71] : memref<512x128xf32, #tpu.memory_space<vmem>> -> memref<128x128xf32, #tpu.memory_space<vmem>>
    %dma_wait3A_73 = arith.constant 0 : i32
    %dma_wait3A_74 = tpu.memref_slice %arg5[%dma_wait3A_69, %dma_wait3A_73] : memref<4x128xi32, #tpu.memory_space<vmem>> -> memref<1x128xi32, #tpu.memory_space<vmem>>
    %dma_wait3A_75 = tpu.memref_squeeze %dma_wait3A_74 : memref<1x128xi32, #tpu.memory_space<vmem>> -> memref<128xi32, #tpu.memory_space<vmem>>
    %dma_wait3A_76 = arith.constant 0 : i32
    %dma_wait3A_77 = arith.constant 0 : i32
    %dma_wait3A_78 = tpu.memref_slice %arg2[%dma_wait3A_76, %dma_wait3A_77] : memref<1000000x128xf32, #tpu.memory_space<hbm>> -> memref<1000000x128xf32, #tpu.memory_space<hbm>>
    tpu.wait_indirect_dma semaphore(%arg7 : memref<!tpu.dma_semaphore, #tpu.memory_space<semaphore_mem>>) src(%dma_wait3A_78 : memref<1000000x128xf32, #tpu.memory_space<hbm>>) dst(%dma_wait3A_72 : memref<128x128xf32, #tpu.memory_space<vmem>>)
    %mul3A_79 = arith.constant 512 : i32
    %mul3A_80 = arith.muli %add3A, %mul3A_79 : i32
    "tpu.region"() ({
      %run_scoped3A = tpu.sem_alloc : memref<!tpu.dma_semaphore, #tpu.memory_space<semaphore_mem>>
      %dma_start3A_81 = arith.constant 0 : i32
      %dma_start3A_82 = tpu.memref_slice %arg4[%mul3A_80, %dma_start3A_81] : memref<16384x128xf32, #tpu.memory_space<hbm>> -> memref<512x128xf32, #tpu.memory_space<hbm>>
      %dma_start3A_83 = arith.constant 0 : i32
      %dma_start3A_84 = tpu.memref_slice %arg4[%mul3A_80, %dma_start3A_83] : memref<16384x128xf32, #tpu.memory_space<hbm>> -> memref<512x128xf32, #tpu.memory_space<hbm>>
      tpu.enqueue_dma source(%arg6 : memref<512x128xf32, #tpu.memory_space<vmem>>) target(%dma_start3A_84 : memref<512x128xf32, #tpu.memory_space<hbm>>) target_semaphore(%run_scoped3A : memref<!tpu.dma_semaphore, #tpu.memory_space<semaphore_mem>>)
      %dma_wait3A_85 = arith.constant 0 : i32
      %dma_wait3A_86 = tpu.memref_slice %arg4[%mul3A_80, %dma_wait3A_85] : memref<16384x128xf32, #tpu.memory_space<hbm>> -> memref<512x128xf32, #tpu.memory_space<hbm>>
      %dma_wait3A_87 = arith.constant 0 : i32
      %dma_wait3A_88 = tpu.memref_slice %arg4[%mul3A_80, %dma_wait3A_87] : memref<16384x128xf32, #tpu.memory_space<hbm>> -> memref<512x128xf32, #tpu.memory_space<hbm>>
      tpu.wait_dma2 semaphore(%run_scoped3A : memref<!tpu.dma_semaphore, #tpu.memory_space<semaphore_mem>>) src(%arg6 : memref<512x128xf32, #tpu.memory_space<vmem>>) dst(%dma_wait3A_88 : memref<512x128xf32, #tpu.memory_space<hbm>>)
      tpu.yield
    }) : () -> ()
    return
  }
}

module attributes {stable_mosaic.version = 14 : i64} {
  func.func @_tree_body(%arg0: memref<16384x128xf32, #tpu.memory_space<vmem>>, %arg1: memref<16384x1xi32, #tpu.memory_space<vmem>>, %arg2: memref<64x192xf32, #tpu.memory_space<vmem>>, %arg3: memref<64x192xf32, #tpu.memory_space<vmem>>, %arg4: memref<1x192xf32, #tpu.memory_space<vmem>>, %arg5: memref<1x192xf32, #tpu.memory_space<vmem>>, %arg6: memref<64x64xf32, #tpu.memory_space<vmem>>, %arg7: memref<1x64xf32, #tpu.memory_space<vmem>>, %arg8: memref<1x64xf32, #tpu.memory_space<vmem>>, %arg9: memref<512x64xf32, #tpu.memory_space<vmem>>) attributes {dimension_semantics = [], scalar_prefetch = 0 : i64, scratch_operands = 0 : i64, tpu.core_type = #tpu.core_type<tc>} {
    %get3A = arith.constant 0 : index
    %get3A_0 = arith.constant 0 : index
    %get3A_1 = vector.load %arg2[%get3A, %get3A_0] : memref<64x192xf32, #tpu.memory_space<vmem>>, vector<64x192xf32>
    %get3A_2 = arith.constant 0 : index
    %get3A_3 = arith.constant 0 : index
    %get3A_4 = vector.load %arg3[%get3A_2, %get3A_3] : memref<64x192xf32, #tpu.memory_space<vmem>>, vector<64x192xf32>
    %get3A_5 = arith.constant 0 : index
    %get3A_6 = arith.constant 0 : index
    %get3A_7 = vector.load %arg4[%get3A_5, %get3A_6] : memref<1x192xf32, #tpu.memory_space<vmem>>, vector<1x192xf32>
    %get3A_8 = arith.constant 0 : index
    %get3A_9 = arith.constant 0 : index
    %get3A_10 = vector.load %arg5[%get3A_8, %get3A_9] : memref<1x192xf32, #tpu.memory_space<vmem>>, vector<1x192xf32>
    %get3A_11 = arith.constant 0 : index
    %get3A_12 = arith.constant 0 : index
    %get3A_13 = vector.load %arg6[%get3A_11, %get3A_12] : memref<64x64xf32, #tpu.memory_space<vmem>>, vector<64x64xf32>
    %get3A_14 = arith.constant 0 : index
    %get3A_15 = arith.constant 0 : index
    %get3A_16 = vector.load %arg7[%get3A_14, %get3A_15] : memref<1x64xf32, #tpu.memory_space<vmem>>, vector<1x64xf32>
    %get3A_17 = arith.constant 0 : index
    %get3A_18 = arith.constant 0 : index
    %get3A_19 = vector.load %arg8[%get3A_17, %get3A_18] : memref<1x64xf32, #tpu.memory_space<vmem>>, vector<1x64xf32>
    %get3A_20 = arith.constant 7680 : index
    %get3A_21 = arith.constant 0 : index
    %get3A_22 = vector.load %arg0[%get3A_20, %get3A_21] : memref<16384x128xf32, #tpu.memory_space<vmem>>, vector<8192x128xf32>
    %get3A_23 = arith.constant 7680 : index
    %get3A_24 = arith.constant 0 : index
    %get3A_25 = vector.load %arg1[%get3A_23, %get3A_24] : memref<16384x1xi32, #tpu.memory_space<vmem>>, vector<8192x1xi32>
    %eq3A = arith.constant 1 : i32
    %eq3A_26 = vector.broadcast %eq3A : i32 to vector<8192x1xi32>
    %eq3A_27 = arith.cmpi eq, %get3A_25, %eq3A_26 : vector<8192x1xi32>
    %slice3A = vector.extract_strided_slice %get3A_22 {offsets = [0, 64], sizes = [8192, 64], strides = [1, 1]} : vector<8192x128xf32> to vector<8192x64xf32>
    %slice3A_28 = vector.extract_strided_slice %get3A_22 {offsets = [0, 0], sizes = [8192, 64], strides = [1, 1]} : vector<8192x128xf32> to vector<8192x64xf32>
    %broadcast_in_dim3A = vector.shape_cast %eq3A_27 : vector<8192x1xi1> to vector<8192x1xi1>
    %broadcast_in_dim3A_29 = vector.broadcast %broadcast_in_dim3A : vector<8192x1xi1> to vector<8192x64xi1>
    %select_n3A = arith.select %broadcast_in_dim3A_29, %slice3A, %slice3A_28 : vector<8192x64xi1>, vector<8192x64xf32>
    %dot_general3A = arith.constant dense<0.000000e+00> : vector<8192x192xf32>
    %dot_general3A_30 = tpu.matmul %select_n3A, %get3A_1, %dot_general3A {dimension_numbers = #tpu.dot_dimension_numbers<[1], [0], [0], [1], [0, 0, 1, 1], [], []>, transpose_lhs_hint = false} : vector<8192x64xf32>, vector<64x192xf32>, vector<8192x192xf32> -> vector<8192x192xf32>
    %add3A = vector.broadcast %get3A_7 : vector<1x192xf32> to vector<8192x192xf32>
    %add3A_31 = arith.addf %dot_general3A_30, %add3A : vector<8192x192xf32>
    %broadcast_in_dim3A_32 = vector.shape_cast %get3A_10 : vector<1x192xf32> to vector<1x192xf32>
    %broadcast_in_dim3A_33 = vector.broadcast %broadcast_in_dim3A_32 : vector<1x192xf32> to vector<8192x192xf32>
    %slice3A_34 = vector.extract_strided_slice %add3A_31 {offsets = [0, 0], sizes = [8192, 64], strides = [1, 1]} : vector<8192x192xf32> to vector<8192x64xf32>
    %slice3A_35 = vector.extract_strided_slice %broadcast_in_dim3A_33 {offsets = [0, 0], sizes = [8192, 64], strides = [1, 1]} : vector<8192x192xf32> to vector<8192x64xf32>
    %add3A_36 = arith.addf %slice3A_34, %slice3A_35 : vector<8192x64xf32>
    %logistic3A = arith.negf %add3A_36 : vector<8192x64xf32>
    %logistic3A_37 = math.exp %logistic3A : vector<8192x64xf32>
    %logistic3A_38 = arith.constant 1.000000e+00 : f32
    %logistic3A_39 = vector.broadcast %logistic3A_38 : f32 to vector<8192x64xf32>
    %logistic3A_40 = arith.addf %logistic3A_39, %logistic3A_37 : vector<8192x64xf32>
    %logistic3A_41 = arith.divf %logistic3A_39, %logistic3A_40 : vector<8192x64xf32>
    %slice3A_42 = vector.extract_strided_slice %add3A_31 {offsets = [0, 64], sizes = [8192, 64], strides = [1, 1]} : vector<8192x192xf32> to vector<8192x64xf32>
    %slice3A_43 = vector.extract_strided_slice %broadcast_in_dim3A_33 {offsets = [0, 64], sizes = [8192, 64], strides = [1, 1]} : vector<8192x192xf32> to vector<8192x64xf32>
    %add3A_44 = arith.addf %slice3A_42, %slice3A_43 : vector<8192x64xf32>
    %logistic3A_45 = arith.negf %add3A_44 : vector<8192x64xf32>
    %logistic3A_46 = math.exp %logistic3A_45 : vector<8192x64xf32>
    %logistic3A_47 = arith.constant 1.000000e+00 : f32
    %logistic3A_48 = vector.broadcast %logistic3A_47 : f32 to vector<8192x64xf32>
    %logistic3A_49 = arith.addf %logistic3A_48, %logistic3A_46 : vector<8192x64xf32>
    %logistic3A_50 = arith.divf %logistic3A_48, %logistic3A_49 : vector<8192x64xf32>
    %slice3A_51 = vector.extract_strided_slice %add3A_31 {offsets = [0, 128], sizes = [8192, 64], strides = [1, 1]} : vector<8192x192xf32> to vector<8192x64xf32>
    %slice3A_52 = vector.extract_strided_slice %broadcast_in_dim3A_33 {offsets = [0, 128], sizes = [8192, 64], strides = [1, 1]} : vector<8192x192xf32> to vector<8192x64xf32>
    %mul3A = arith.mulf %logistic3A_41, %slice3A_52 : vector<8192x64xf32>
    %add3A_53 = arith.addf %slice3A_51, %mul3A : vector<8192x64xf32>
    %tanh3A = math.tanh %add3A_53 : vector<8192x64xf32>
    %sub3A = arith.constant 1.000000e+00 : f32
    %sub3A_54 = vector.broadcast %sub3A : f32 to vector<8192x64xf32>
    %sub3A_55 = arith.subf %sub3A_54, %logistic3A_50 : vector<8192x64xf32>
    %mul3A_56 = arith.mulf %sub3A_55, %tanh3A : vector<8192x64xf32>
    %reshape3A = vector.shape_cast %mul3A_56 : vector<8192x64xf32> to vector<16x512x64xf32>
    %reduce_max3A = arith.constant dense<0xFF800000> : vector<512x64xf32>
    %reduce_max3A_57 = vector.multi_reduction <maximumf>, %reshape3A, %reduce_max3A [0] : vector<16x512x64xf32> to vector<512x64xf32>
    %get3A_58 = arith.constant 3584 : index
    %get3A_59 = arith.constant 0 : index
    %get3A_60 = vector.load %arg0[%get3A_58, %get3A_59] : memref<16384x128xf32, #tpu.memory_space<vmem>>, vector<4096x128xf32>
    %get3A_61 = arith.constant 3584 : index
    %get3A_62 = arith.constant 0 : index
    %get3A_63 = vector.load %arg1[%get3A_61, %get3A_62] : memref<16384x1xi32, #tpu.memory_space<vmem>>, vector<4096x1xi32>
    %eq3A_64 = arith.constant 1 : i32
    %eq3A_65 = vector.broadcast %eq3A_64 : i32 to vector<4096x1xi32>
    %eq3A_66 = arith.cmpi eq, %get3A_63, %eq3A_65 : vector<4096x1xi32>
    %slice3A_67 = vector.extract_strided_slice %get3A_60 {offsets = [0, 64], sizes = [4096, 64], strides = [1, 1]} : vector<4096x128xf32> to vector<4096x64xf32>
    %slice3A_68 = vector.extract_strided_slice %get3A_60 {offsets = [0, 0], sizes = [4096, 64], strides = [1, 1]} : vector<4096x128xf32> to vector<4096x64xf32>
    %broadcast_in_dim3A_69 = vector.shape_cast %eq3A_66 : vector<4096x1xi1> to vector<4096x1xi1>
    %broadcast_in_dim3A_70 = vector.broadcast %broadcast_in_dim3A_69 : vector<4096x1xi1> to vector<4096x64xi1>
    %select_n3A_71 = arith.select %broadcast_in_dim3A_70, %slice3A_67, %slice3A_68 : vector<4096x64xi1>, vector<4096x64xf32>
    %dot_general3A_72 = arith.constant dense<0.000000e+00> : vector<4096x192xf32>
    %dot_general3A_73 = tpu.matmul %select_n3A_71, %get3A_1, %dot_general3A_72 {dimension_numbers = #tpu.dot_dimension_numbers<[1], [0], [0], [1], [0, 0, 1, 1], [], []>, transpose_lhs_hint = false} : vector<4096x64xf32>, vector<64x192xf32>, vector<4096x192xf32> -> vector<4096x192xf32>
    %add3A_74 = vector.broadcast %get3A_7 : vector<1x192xf32> to vector<4096x192xf32>
    %add3A_75 = arith.addf %dot_general3A_73, %add3A_74 : vector<4096x192xf32>
    %dot_general3A_76 = arith.constant dense<0.000000e+00> : vector<8192x64xf32>
    %dot_general3A_77 = tpu.matmul %mul3A_56, %get3A_13, %dot_general3A_76 {dimension_numbers = #tpu.dot_dimension_numbers<[1], [0], [0], [1], [0, 0, 1, 1], [], []>, transpose_lhs_hint = false} : vector<8192x64xf32>, vector<64x64xf32>, vector<8192x64xf32> -> vector<8192x64xf32>
    %add3A_78 = vector.broadcast %get3A_16 : vector<1x64xf32> to vector<8192x64xf32>
    %add3A_79 = arith.addf %dot_general3A_77, %add3A_78 : vector<8192x64xf32>
    %tanh3A_80 = math.tanh %add3A_79 : vector<8192x64xf32>
    %mul3A_81 = vector.broadcast %get3A_19 : vector<1x64xf32> to vector<8192x64xf32>
    %mul3A_82 = arith.mulf %tanh3A_80, %mul3A_81 : vector<8192x64xf32>
    %reshape3A_83 = vector.shape_cast %mul3A_82 : vector<8192x64xf32> to vector<8x2x512x64xf32>
    %reduce_sum3A = arith.constant dense<0.000000e+00> : vector<8x2x512xf32>
    %reduce_sum3A_84 = vector.multi_reduction <add>, %reshape3A_83, %reduce_sum3A [3] : vector<8x2x512x64xf32> to vector<8x2x512xf32>
    %broadcast_in_dim3A_85 = vector.shape_cast %reduce_sum3A_84 : vector<8x2x512xf32> to vector<8x2x512x1xf32>
    %tanh3A_86 = math.tanh %broadcast_in_dim3A_85 : vector<8x2x512x1xf32>
    %slice3A_87 = vector.extract_strided_slice %tanh3A_86 {offsets = [0, 0, 0, 0], sizes = [8, 1, 512, 1], strides = [1, 1, 1, 1]} : vector<8x2x512x1xf32> to vector<8x1x512x1xf32>
    %squeeze3A = vector.shape_cast %slice3A_87 : vector<8x1x512x1xf32> to vector<8x512x1xf32>
    %slice3A_88 = vector.extract_strided_slice %tanh3A_86 {offsets = [0, 1, 0, 0], sizes = [8, 1, 512, 1], strides = [1, 1, 1, 1]} : vector<8x2x512x1xf32> to vector<8x1x512x1xf32>
    %squeeze3A_89 = vector.shape_cast %slice3A_88 : vector<8x1x512x1xf32> to vector<8x512x1xf32>
    %sub3A_90 = arith.subf %squeeze3A, %squeeze3A_89 : vector<8x512x1xf32>
    %logistic3A_91 = arith.negf %sub3A_90 : vector<8x512x1xf32>
    %logistic3A_92 = math.exp %logistic3A_91 : vector<8x512x1xf32>
    %logistic3A_93 = arith.constant 1.000000e+00 : f32
    %logistic3A_94 = vector.broadcast %logistic3A_93 : f32 to vector<8x512x1xf32>
    %logistic3A_95 = arith.addf %logistic3A_94, %logistic3A_92 : vector<8x512x1xf32>
    %logistic3A_96 = arith.divf %logistic3A_94, %logistic3A_95 : vector<8x512x1xf32>
    %sub3A_97 = arith.subf %squeeze3A_89, %squeeze3A : vector<8x512x1xf32>
    %logistic3A_98 = arith.negf %sub3A_97 : vector<8x512x1xf32>
    %logistic3A_99 = math.exp %logistic3A_98 : vector<8x512x1xf32>
    %logistic3A_100 = arith.constant 1.000000e+00 : f32
    %logistic3A_101 = vector.broadcast %logistic3A_100 : f32 to vector<8x512x1xf32>
    %logistic3A_102 = arith.addf %logistic3A_101, %logistic3A_99 : vector<8x512x1xf32>
    %logistic3A_103 = arith.divf %logistic3A_101, %logistic3A_102 : vector<8x512x1xf32>
    %reshape3A_104 = vector.shape_cast %mul3A_56 : vector<8192x64xf32> to vector<8x2x512x64xf32>
    %slice3A_105 = vector.extract_strided_slice %reshape3A_104 {offsets = [0, 0, 0, 0], sizes = [8, 1, 512, 64], strides = [1, 1, 1, 1]} : vector<8x2x512x64xf32> to vector<8x1x512x64xf32>
    %squeeze3A_106 = vector.shape_cast %slice3A_105 : vector<8x1x512x64xf32> to vector<8x512x64xf32>
    %mul3A_107 = vector.broadcast %logistic3A_96 : vector<8x512x1xf32> to vector<8x512x64xf32>
    %mul3A_108 = arith.mulf %squeeze3A_106, %mul3A_107 : vector<8x512x64xf32>
    %slice3A_109 = vector.extract_strided_slice %reshape3A_104 {offsets = [0, 1, 0, 0], sizes = [8, 1, 512, 64], strides = [1, 1, 1, 1]} : vector<8x2x512x64xf32> to vector<8x1x512x64xf32>
    %squeeze3A_110 = vector.shape_cast %slice3A_109 : vector<8x1x512x64xf32> to vector<8x512x64xf32>
    %mul3A_111 = vector.broadcast %logistic3A_103 : vector<8x512x1xf32> to vector<8x512x64xf32>
    %mul3A_112 = arith.mulf %squeeze3A_110, %mul3A_111 : vector<8x512x64xf32>
    %add3A_113 = arith.addf %mul3A_108, %mul3A_112 : vector<8x512x64xf32>
    %reshape3A_114 = vector.shape_cast %add3A_113 : vector<8x512x64xf32> to vector<4096x64xf32>
    %dot_general3A_115 = arith.constant dense<0.000000e+00> : vector<4096x192xf32>
    %dot_general3A_116 = tpu.matmul %reshape3A_114, %get3A_4, %dot_general3A_115 {dimension_numbers = #tpu.dot_dimension_numbers<[1], [0], [0], [1], [0, 0, 1, 1], [], []>, transpose_lhs_hint = false} : vector<4096x64xf32>, vector<64x192xf32>, vector<4096x192xf32> -> vector<4096x192xf32>
    %add3A_117 = vector.broadcast %get3A_10 : vector<1x192xf32> to vector<4096x192xf32>
    %add3A_118 = arith.addf %dot_general3A_116, %add3A_117 : vector<4096x192xf32>
    %slice3A_119 = vector.extract_strided_slice %add3A_75 {offsets = [0, 0], sizes = [4096, 64], strides = [1, 1]} : vector<4096x192xf32> to vector<4096x64xf32>
    %slice3A_120 = vector.extract_strided_slice %add3A_118 {offsets = [0, 0], sizes = [4096, 64], strides = [1, 1]} : vector<4096x192xf32> to vector<4096x64xf32>
    %add3A_121 = arith.addf %slice3A_119, %slice3A_120 : vector<4096x64xf32>
    %logistic3A_122 = arith.negf %add3A_121 : vector<4096x64xf32>
    %logistic3A_123 = math.exp %logistic3A_122 : vector<4096x64xf32>
    %logistic3A_124 = arith.constant 1.000000e+00 : f32
    %logistic3A_125 = vector.broadcast %logistic3A_124 : f32 to vector<4096x64xf32>
    %logistic3A_126 = arith.addf %logistic3A_125, %logistic3A_123 : vector<4096x64xf32>
    %logistic3A_127 = arith.divf %logistic3A_125, %logistic3A_126 : vector<4096x64xf32>
    %slice3A_128 = vector.extract_strided_slice %add3A_75 {offsets = [0, 64], sizes = [4096, 64], strides = [1, 1]} : vector<4096x192xf32> to vector<4096x64xf32>
    %slice3A_129 = vector.extract_strided_slice %add3A_118 {offsets = [0, 64], sizes = [4096, 64], strides = [1, 1]} : vector<4096x192xf32> to vector<4096x64xf32>
    %add3A_130 = arith.addf %slice3A_128, %slice3A_129 : vector<4096x64xf32>
    %logistic3A_131 = arith.negf %add3A_130 : vector<4096x64xf32>
    %logistic3A_132 = math.exp %logistic3A_131 : vector<4096x64xf32>
    %logistic3A_133 = arith.constant 1.000000e+00 : f32
    %logistic3A_134 = vector.broadcast %logistic3A_133 : f32 to vector<4096x64xf32>
    %logistic3A_135 = arith.addf %logistic3A_134, %logistic3A_132 : vector<4096x64xf32>
    %logistic3A_136 = arith.divf %logistic3A_134, %logistic3A_135 : vector<4096x64xf32>
    %slice3A_137 = vector.extract_strided_slice %add3A_75 {offsets = [0, 128], sizes = [4096, 64], strides = [1, 1]} : vector<4096x192xf32> to vector<4096x64xf32>
    %slice3A_138 = vector.extract_strided_slice %add3A_118 {offsets = [0, 128], sizes = [4096, 64], strides = [1, 1]} : vector<4096x192xf32> to vector<4096x64xf32>
    %mul3A_139 = arith.mulf %logistic3A_127, %slice3A_138 : vector<4096x64xf32>
    %add3A_140 = arith.addf %slice3A_137, %mul3A_139 : vector<4096x64xf32>
    %tanh3A_141 = math.tanh %add3A_140 : vector<4096x64xf32>
    %sub3A_142 = arith.constant 1.000000e+00 : f32
    %sub3A_143 = vector.broadcast %sub3A_142 : f32 to vector<4096x64xf32>
    %sub3A_144 = arith.subf %sub3A_143, %logistic3A_136 : vector<4096x64xf32>
    %mul3A_145 = arith.mulf %sub3A_144, %tanh3A_141 : vector<4096x64xf32>
    %mul3A_146 = arith.mulf %logistic3A_136, %reshape3A_114 : vector<4096x64xf32>
    %add3A_147 = arith.addf %mul3A_145, %mul3A_146 : vector<4096x64xf32>
    %reshape3A_148 = vector.shape_cast %add3A_147 : vector<4096x64xf32> to vector<8x512x64xf32>
    %reduce_max3A_149 = arith.constant dense<0xFF800000> : vector<512x64xf32>
    %reduce_max3A_150 = vector.multi_reduction <maximumf>, %reshape3A_148, %reduce_max3A_149 [0] : vector<8x512x64xf32> to vector<512x64xf32>
    %max3A = arith.maximumf %reduce_max3A_57, %reduce_max3A_150 : vector<512x64xf32>
    %get3A_151 = arith.constant 1536 : index
    %get3A_152 = arith.constant 0 : index
    %get3A_153 = vector.load %arg0[%get3A_151, %get3A_152] : memref<16384x128xf32, #tpu.memory_space<vmem>>, vector<2048x128xf32>
    %get3A_154 = arith.constant 1536 : index
    %get3A_155 = arith.constant 0 : index
    %get3A_156 = vector.load %arg1[%get3A_154, %get3A_155] : memref<16384x1xi32, #tpu.memory_space<vmem>>, vector<2048x1xi32>
    %eq3A_157 = arith.constant 1 : i32
    %eq3A_158 = vector.broadcast %eq3A_157 : i32 to vector<2048x1xi32>
    %eq3A_159 = arith.cmpi eq, %get3A_156, %eq3A_158 : vector<2048x1xi32>
    %slice3A_160 = vector.extract_strided_slice %get3A_153 {offsets = [0, 64], sizes = [2048, 64], strides = [1, 1]} : vector<2048x128xf32> to vector<2048x64xf32>
    %slice3A_161 = vector.extract_strided_slice %get3A_153 {offsets = [0, 0], sizes = [2048, 64], strides = [1, 1]} : vector<2048x128xf32> to vector<2048x64xf32>
    %broadcast_in_dim3A_162 = vector.shape_cast %eq3A_159 : vector<2048x1xi1> to vector<2048x1xi1>
    %broadcast_in_dim3A_163 = vector.broadcast %broadcast_in_dim3A_162 : vector<2048x1xi1> to vector<2048x64xi1>
    %select_n3A_164 = arith.select %broadcast_in_dim3A_163, %slice3A_160, %slice3A_161 : vector<2048x64xi1>, vector<2048x64xf32>
    %dot_general3A_165 = arith.constant dense<0.000000e+00> : vector<2048x192xf32>
    %dot_general3A_166 = tpu.matmul %select_n3A_164, %get3A_1, %dot_general3A_165 {dimension_numbers = #tpu.dot_dimension_numbers<[1], [0], [0], [1], [0, 0, 1, 1], [], []>, transpose_lhs_hint = false} : vector<2048x64xf32>, vector<64x192xf32>, vector<2048x192xf32> -> vector<2048x192xf32>
    %add3A_167 = vector.broadcast %get3A_7 : vector<1x192xf32> to vector<2048x192xf32>
    %add3A_168 = arith.addf %dot_general3A_166, %add3A_167 : vector<2048x192xf32>
    %dot_general3A_169 = arith.constant dense<0.000000e+00> : vector<4096x64xf32>
    %dot_general3A_170 = tpu.matmul %add3A_147, %get3A_13, %dot_general3A_169 {dimension_numbers = #tpu.dot_dimension_numbers<[1], [0], [0], [1], [0, 0, 1, 1], [], []>, transpose_lhs_hint = false} : vector<4096x64xf32>, vector<64x64xf32>, vector<4096x64xf32> -> vector<4096x64xf32>
    %add3A_171 = vector.broadcast %get3A_16 : vector<1x64xf32> to vector<4096x64xf32>
    %add3A_172 = arith.addf %dot_general3A_170, %add3A_171 : vector<4096x64xf32>
    %tanh3A_173 = math.tanh %add3A_172 : vector<4096x64xf32>
    %mul3A_174 = vector.broadcast %get3A_19 : vector<1x64xf32> to vector<4096x64xf32>
    %mul3A_175 = arith.mulf %tanh3A_173, %mul3A_174 : vector<4096x64xf32>
    %reshape3A_176 = vector.shape_cast %mul3A_175 : vector<4096x64xf32> to vector<4x2x512x64xf32>
    %reduce_sum3A_177 = arith.constant dense<0.000000e+00> : vector<4x2x512xf32>
    %reduce_sum3A_178 = vector.multi_reduction <add>, %reshape3A_176, %reduce_sum3A_177 [3] : vector<4x2x512x64xf32> to vector<4x2x512xf32>
    %broadcast_in_dim3A_179 = vector.shape_cast %reduce_sum3A_178 : vector<4x2x512xf32> to vector<4x2x512x1xf32>
    %tanh3A_180 = math.tanh %broadcast_in_dim3A_179 : vector<4x2x512x1xf32>
    %slice3A_181 = vector.extract_strided_slice %tanh3A_180 {offsets = [0, 0, 0, 0], sizes = [4, 1, 512, 1], strides = [1, 1, 1, 1]} : vector<4x2x512x1xf32> to vector<4x1x512x1xf32>
    %squeeze3A_182 = vector.shape_cast %slice3A_181 : vector<4x1x512x1xf32> to vector<4x512x1xf32>
    %slice3A_183 = vector.extract_strided_slice %tanh3A_180 {offsets = [0, 1, 0, 0], sizes = [4, 1, 512, 1], strides = [1, 1, 1, 1]} : vector<4x2x512x1xf32> to vector<4x1x512x1xf32>
    %squeeze3A_184 = vector.shape_cast %slice3A_183 : vector<4x1x512x1xf32> to vector<4x512x1xf32>
    %sub3A_185 = arith.subf %squeeze3A_182, %squeeze3A_184 : vector<4x512x1xf32>
    %logistic3A_186 = arith.negf %sub3A_185 : vector<4x512x1xf32>
    %logistic3A_187 = math.exp %logistic3A_186 : vector<4x512x1xf32>
    %logistic3A_188 = arith.constant 1.000000e+00 : f32
    %logistic3A_189 = vector.broadcast %logistic3A_188 : f32 to vector<4x512x1xf32>
    %logistic3A_190 = arith.addf %logistic3A_189, %logistic3A_187 : vector<4x512x1xf32>
    %logistic3A_191 = arith.divf %logistic3A_189, %logistic3A_190 : vector<4x512x1xf32>
    %sub3A_192 = arith.subf %squeeze3A_184, %squeeze3A_182 : vector<4x512x1xf32>
    %logistic3A_193 = arith.negf %sub3A_192 : vector<4x512x1xf32>
    %logistic3A_194 = math.exp %logistic3A_193 : vector<4x512x1xf32>
    %logistic3A_195 = arith.constant 1.000000e+00 : f32
    %logistic3A_196 = vector.broadcast %logistic3A_195 : f32 to vector<4x512x1xf32>
    %logistic3A_197 = arith.addf %logistic3A_196, %logistic3A_194 : vector<4x512x1xf32>
    %logistic3A_198 = arith.divf %logistic3A_196, %logistic3A_197 : vector<4x512x1xf32>
    %reshape3A_199 = vector.shape_cast %add3A_147 : vector<4096x64xf32> to vector<4x2x512x64xf32>
    %slice3A_200 = vector.extract_strided_slice %reshape3A_199 {offsets = [0, 0, 0, 0], sizes = [4, 1, 512, 64], strides = [1, 1, 1, 1]} : vector<4x2x512x64xf32> to vector<4x1x512x64xf32>
    %squeeze3A_201 = vector.shape_cast %slice3A_200 : vector<4x1x512x64xf32> to vector<4x512x64xf32>
    %mul3A_202 = vector.broadcast %logistic3A_191 : vector<4x512x1xf32> to vector<4x512x64xf32>
    %mul3A_203 = arith.mulf %squeeze3A_201, %mul3A_202 : vector<4x512x64xf32>
    %slice3A_204 = vector.extract_strided_slice %reshape3A_199 {offsets = [0, 1, 0, 0], sizes = [4, 1, 512, 64], strides = [1, 1, 1, 1]} : vector<4x2x512x64xf32> to vector<4x1x512x64xf32>
    %squeeze3A_205 = vector.shape_cast %slice3A_204 : vector<4x1x512x64xf32> to vector<4x512x64xf32>
    %mul3A_206 = vector.broadcast %logistic3A_198 : vector<4x512x1xf32> to vector<4x512x64xf32>
    %mul3A_207 = arith.mulf %squeeze3A_205, %mul3A_206 : vector<4x512x64xf32>
    %add3A_208 = arith.addf %mul3A_203, %mul3A_207 : vector<4x512x64xf32>
    %reshape3A_209 = vector.shape_cast %add3A_208 : vector<4x512x64xf32> to vector<2048x64xf32>
    %dot_general3A_210 = arith.constant dense<0.000000e+00> : vector<2048x192xf32>
    %dot_general3A_211 = tpu.matmul %reshape3A_209, %get3A_4, %dot_general3A_210 {dimension_numbers = #tpu.dot_dimension_numbers<[1], [0], [0], [1], [0, 0, 1, 1], [], []>, transpose_lhs_hint = false} : vector<2048x64xf32>, vector<64x192xf32>, vector<2048x192xf32> -> vector<2048x192xf32>
    %add3A_212 = vector.broadcast %get3A_10 : vector<1x192xf32> to vector<2048x192xf32>
    %add3A_213 = arith.addf %dot_general3A_211, %add3A_212 : vector<2048x192xf32>
    %slice3A_214 = vector.extract_strided_slice %add3A_168 {offsets = [0, 0], sizes = [2048, 64], strides = [1, 1]} : vector<2048x192xf32> to vector<2048x64xf32>
    %slice3A_215 = vector.extract_strided_slice %add3A_213 {offsets = [0, 0], sizes = [2048, 64], strides = [1, 1]} : vector<2048x192xf32> to vector<2048x64xf32>
    %add3A_216 = arith.addf %slice3A_214, %slice3A_215 : vector<2048x64xf32>
    %logistic3A_217 = arith.negf %add3A_216 : vector<2048x64xf32>
    %logistic3A_218 = math.exp %logistic3A_217 : vector<2048x64xf32>
    %logistic3A_219 = arith.constant 1.000000e+00 : f32
    %logistic3A_220 = vector.broadcast %logistic3A_219 : f32 to vector<2048x64xf32>
    %logistic3A_221 = arith.addf %logistic3A_220, %logistic3A_218 : vector<2048x64xf32>
    %logistic3A_222 = arith.divf %logistic3A_220, %logistic3A_221 : vector<2048x64xf32>
    %slice3A_223 = vector.extract_strided_slice %add3A_168 {offsets = [0, 64], sizes = [2048, 64], strides = [1, 1]} : vector<2048x192xf32> to vector<2048x64xf32>
    %slice3A_224 = vector.extract_strided_slice %add3A_213 {offsets = [0, 64], sizes = [2048, 64], strides = [1, 1]} : vector<2048x192xf32> to vector<2048x64xf32>
    %add3A_225 = arith.addf %slice3A_223, %slice3A_224 : vector<2048x64xf32>
    %logistic3A_226 = arith.negf %add3A_225 : vector<2048x64xf32>
    %logistic3A_227 = math.exp %logistic3A_226 : vector<2048x64xf32>
    %logistic3A_228 = arith.constant 1.000000e+00 : f32
    %logistic3A_229 = vector.broadcast %logistic3A_228 : f32 to vector<2048x64xf32>
    %logistic3A_230 = arith.addf %logistic3A_229, %logistic3A_227 : vector<2048x64xf32>
    %logistic3A_231 = arith.divf %logistic3A_229, %logistic3A_230 : vector<2048x64xf32>
    %slice3A_232 = vector.extract_strided_slice %add3A_168 {offsets = [0, 128], sizes = [2048, 64], strides = [1, 1]} : vector<2048x192xf32> to vector<2048x64xf32>
    %slice3A_233 = vector.extract_strided_slice %add3A_213 {offsets = [0, 128], sizes = [2048, 64], strides = [1, 1]} : vector<2048x192xf32> to vector<2048x64xf32>
    %mul3A_234 = arith.mulf %logistic3A_222, %slice3A_233 : vector<2048x64xf32>
    %add3A_235 = arith.addf %slice3A_232, %mul3A_234 : vector<2048x64xf32>
    %tanh3A_236 = math.tanh %add3A_235 : vector<2048x64xf32>
    %sub3A_237 = arith.constant 1.000000e+00 : f32
    %sub3A_238 = vector.broadcast %sub3A_237 : f32 to vector<2048x64xf32>
    %sub3A_239 = arith.subf %sub3A_238, %logistic3A_231 : vector<2048x64xf32>
    %mul3A_240 = arith.mulf %sub3A_239, %tanh3A_236 : vector<2048x64xf32>
    %mul3A_241 = arith.mulf %logistic3A_231, %reshape3A_209 : vector<2048x64xf32>
    %add3A_242 = arith.addf %mul3A_240, %mul3A_241 : vector<2048x64xf32>
    %reshape3A_243 = vector.shape_cast %add3A_242 : vector<2048x64xf32> to vector<4x512x64xf32>
    %reduce_max3A_244 = arith.constant dense<0xFF800000> : vector<512x64xf32>
    %reduce_max3A_245 = vector.multi_reduction <maximumf>, %reshape3A_243, %reduce_max3A_244 [0] : vector<4x512x64xf32> to vector<512x64xf32>
    %max3A_246 = arith.maximumf %max3A, %reduce_max3A_245 : vector<512x64xf32>
    %get3A_247 = arith.constant 512 : index
    %get3A_248 = arith.constant 0 : index
    %get3A_249 = vector.load %arg0[%get3A_247, %get3A_248] : memref<16384x128xf32, #tpu.memory_space<vmem>>, vector<1024x128xf32>
    %get3A_250 = arith.constant 512 : index
    %get3A_251 = arith.constant 0 : index
    %get3A_252 = vector.load %arg1[%get3A_250, %get3A_251] : memref<16384x1xi32, #tpu.memory_space<vmem>>, vector<1024x1xi32>
    %eq3A_253 = arith.constant 1 : i32
    %eq3A_254 = vector.broadcast %eq3A_253 : i32 to vector<1024x1xi32>
    %eq3A_255 = arith.cmpi eq, %get3A_252, %eq3A_254 : vector<1024x1xi32>
    %slice3A_256 = vector.extract_strided_slice %get3A_249 {offsets = [0, 64], sizes = [1024, 64], strides = [1, 1]} : vector<1024x128xf32> to vector<1024x64xf32>
    %slice3A_257 = vector.extract_strided_slice %get3A_249 {offsets = [0, 0], sizes = [1024, 64], strides = [1, 1]} : vector<1024x128xf32> to vector<1024x64xf32>
    %broadcast_in_dim3A_258 = vector.shape_cast %eq3A_255 : vector<1024x1xi1> to vector<1024x1xi1>
    %broadcast_in_dim3A_259 = vector.broadcast %broadcast_in_dim3A_258 : vector<1024x1xi1> to vector<1024x64xi1>
    %select_n3A_260 = arith.select %broadcast_in_dim3A_259, %slice3A_256, %slice3A_257 : vector<1024x64xi1>, vector<1024x64xf32>
    %dot_general3A_261 = arith.constant dense<0.000000e+00> : vector<1024x192xf32>
    %dot_general3A_262 = tpu.matmul %select_n3A_260, %get3A_1, %dot_general3A_261 {dimension_numbers = #tpu.dot_dimension_numbers<[1], [0], [0], [1], [0, 0, 1, 1], [], []>, transpose_lhs_hint = false} : vector<1024x64xf32>, vector<64x192xf32>, vector<1024x192xf32> -> vector<1024x192xf32>
    %add3A_263 = vector.broadcast %get3A_7 : vector<1x192xf32> to vector<1024x192xf32>
    %add3A_264 = arith.addf %dot_general3A_262, %add3A_263 : vector<1024x192xf32>
    %dot_general3A_265 = arith.constant dense<0.000000e+00> : vector<2048x64xf32>
    %dot_general3A_266 = tpu.matmul %add3A_242, %get3A_13, %dot_general3A_265 {dimension_numbers = #tpu.dot_dimension_numbers<[1], [0], [0], [1], [0, 0, 1, 1], [], []>, transpose_lhs_hint = false} : vector<2048x64xf32>, vector<64x64xf32>, vector<2048x64xf32> -> vector<2048x64xf32>
    %add3A_267 = vector.broadcast %get3A_16 : vector<1x64xf32> to vector<2048x64xf32>
    %add3A_268 = arith.addf %dot_general3A_266, %add3A_267 : vector<2048x64xf32>
    %tanh3A_269 = math.tanh %add3A_268 : vector<2048x64xf32>
    %mul3A_270 = vector.broadcast %get3A_19 : vector<1x64xf32> to vector<2048x64xf32>
    %mul3A_271 = arith.mulf %tanh3A_269, %mul3A_270 : vector<2048x64xf32>
    %reshape3A_272 = vector.shape_cast %mul3A_271 : vector<2048x64xf32> to vector<2x2x512x64xf32>
    %reduce_sum3A_273 = arith.constant dense<0.000000e+00> : vector<2x2x512xf32>
    %reduce_sum3A_274 = vector.multi_reduction <add>, %reshape3A_272, %reduce_sum3A_273 [3] : vector<2x2x512x64xf32> to vector<2x2x512xf32>
    %broadcast_in_dim3A_275 = vector.shape_cast %reduce_sum3A_274 : vector<2x2x512xf32> to vector<2x2x512x1xf32>
    %tanh3A_276 = math.tanh %broadcast_in_dim3A_275 : vector<2x2x512x1xf32>
    %slice3A_277 = vector.extract_strided_slice %tanh3A_276 {offsets = [0, 0, 0, 0], sizes = [2, 1, 512, 1], strides = [1, 1, 1, 1]} : vector<2x2x512x1xf32> to vector<2x1x512x1xf32>
    %squeeze3A_278 = vector.shape_cast %slice3A_277 : vector<2x1x512x1xf32> to vector<2x512x1xf32>
    %slice3A_279 = vector.extract_strided_slice %tanh3A_276 {offsets = [0, 1, 0, 0], sizes = [2, 1, 512, 1], strides = [1, 1, 1, 1]} : vector<2x2x512x1xf32> to vector<2x1x512x1xf32>
    %squeeze3A_280 = vector.shape_cast %slice3A_279 : vector<2x1x512x1xf32> to vector<2x512x1xf32>
    %sub3A_281 = arith.subf %squeeze3A_278, %squeeze3A_280 : vector<2x512x1xf32>
    %logistic3A_282 = arith.negf %sub3A_281 : vector<2x512x1xf32>
    %logistic3A_283 = math.exp %logistic3A_282 : vector<2x512x1xf32>
    %logistic3A_284 = arith.constant 1.000000e+00 : f32
    %logistic3A_285 = vector.broadcast %logistic3A_284 : f32 to vector<2x512x1xf32>
    %logistic3A_286 = arith.addf %logistic3A_285, %logistic3A_283 : vector<2x512x1xf32>
    %logistic3A_287 = arith.divf %logistic3A_285, %logistic3A_286 : vector<2x512x1xf32>
    %sub3A_288 = arith.subf %squeeze3A_280, %squeeze3A_278 : vector<2x512x1xf32>
    %logistic3A_289 = arith.negf %sub3A_288 : vector<2x512x1xf32>
    %logistic3A_290 = math.exp %logistic3A_289 : vector<2x512x1xf32>
    %logistic3A_291 = arith.constant 1.000000e+00 : f32
    %logistic3A_292 = vector.broadcast %logistic3A_291 : f32 to vector<2x512x1xf32>
    %logistic3A_293 = arith.addf %logistic3A_292, %logistic3A_290 : vector<2x512x1xf32>
    %logistic3A_294 = arith.divf %logistic3A_292, %logistic3A_293 : vector<2x512x1xf32>
    %reshape3A_295 = vector.shape_cast %add3A_242 : vector<2048x64xf32> to vector<2x2x512x64xf32>
    %slice3A_296 = vector.extract_strided_slice %reshape3A_295 {offsets = [0, 0, 0, 0], sizes = [2, 1, 512, 64], strides = [1, 1, 1, 1]} : vector<2x2x512x64xf32> to vector<2x1x512x64xf32>
    %squeeze3A_297 = vector.shape_cast %slice3A_296 : vector<2x1x512x64xf32> to vector<2x512x64xf32>
    %mul3A_298 = vector.broadcast %logistic3A_287 : vector<2x512x1xf32> to vector<2x512x64xf32>
    %mul3A_299 = arith.mulf %squeeze3A_297, %mul3A_298 : vector<2x512x64xf32>
    %slice3A_300 = vector.extract_strided_slice %reshape3A_295 {offsets = [0, 1, 0, 0], sizes = [2, 1, 512, 64], strides = [1, 1, 1, 1]} : vector<2x2x512x64xf32> to vector<2x1x512x64xf32>
    %squeeze3A_301 = vector.shape_cast %slice3A_300 : vector<2x1x512x64xf32> to vector<2x512x64xf32>
    %mul3A_302 = vector.broadcast %logistic3A_294 : vector<2x512x1xf32> to vector<2x512x64xf32>
    %mul3A_303 = arith.mulf %squeeze3A_301, %mul3A_302 : vector<2x512x64xf32>
    %add3A_304 = arith.addf %mul3A_299, %mul3A_303 : vector<2x512x64xf32>
    %reshape3A_305 = vector.shape_cast %add3A_304 : vector<2x512x64xf32> to vector<1024x64xf32>
    %dot_general3A_306 = arith.constant dense<0.000000e+00> : vector<1024x192xf32>
    %dot_general3A_307 = tpu.matmul %reshape3A_305, %get3A_4, %dot_general3A_306 {dimension_numbers = #tpu.dot_dimension_numbers<[1], [0], [0], [1], [0, 0, 1, 1], [], []>, transpose_lhs_hint = false} : vector<1024x64xf32>, vector<64x192xf32>, vector<1024x192xf32> -> vector<1024x192xf32>
    %add3A_308 = vector.broadcast %get3A_10 : vector<1x192xf32> to vector<1024x192xf32>
    %add3A_309 = arith.addf %dot_general3A_307, %add3A_308 : vector<1024x192xf32>
    %slice3A_310 = vector.extract_strided_slice %add3A_264 {offsets = [0, 0], sizes = [1024, 64], strides = [1, 1]} : vector<1024x192xf32> to vector<1024x64xf32>
    %slice3A_311 = vector.extract_strided_slice %add3A_309 {offsets = [0, 0], sizes = [1024, 64], strides = [1, 1]} : vector<1024x192xf32> to vector<1024x64xf32>
    %add3A_312 = arith.addf %slice3A_310, %slice3A_311 : vector<1024x64xf32>
    %logistic3A_313 = arith.negf %add3A_312 : vector<1024x64xf32>
    %logistic3A_314 = math.exp %logistic3A_313 : vector<1024x64xf32>
    %logistic3A_315 = arith.constant 1.000000e+00 : f32
    %logistic3A_316 = vector.broadcast %logistic3A_315 : f32 to vector<1024x64xf32>
    %logistic3A_317 = arith.addf %logistic3A_316, %logistic3A_314 : vector<1024x64xf32>
    %logistic3A_318 = arith.divf %logistic3A_316, %logistic3A_317 : vector<1024x64xf32>
    %slice3A_319 = vector.extract_strided_slice %add3A_264 {offsets = [0, 64], sizes = [1024, 64], strides = [1, 1]} : vector<1024x192xf32> to vector<1024x64xf32>
    %slice3A_320 = vector.extract_strided_slice %add3A_309 {offsets = [0, 64], sizes = [1024, 64], strides = [1, 1]} : vector<1024x192xf32> to vector<1024x64xf32>
    %add3A_321 = arith.addf %slice3A_319, %slice3A_320 : vector<1024x64xf32>
    %logistic3A_322 = arith.negf %add3A_321 : vector<1024x64xf32>
    %logistic3A_323 = math.exp %logistic3A_322 : vector<1024x64xf32>
    %logistic3A_324 = arith.constant 1.000000e+00 : f32
    %logistic3A_325 = vector.broadcast %logistic3A_324 : f32 to vector<1024x64xf32>
    %logistic3A_326 = arith.addf %logistic3A_325, %logistic3A_323 : vector<1024x64xf32>
    %logistic3A_327 = arith.divf %logistic3A_325, %logistic3A_326 : vector<1024x64xf32>
    %slice3A_328 = vector.extract_strided_slice %add3A_264 {offsets = [0, 128], sizes = [1024, 64], strides = [1, 1]} : vector<1024x192xf32> to vector<1024x64xf32>
    %slice3A_329 = vector.extract_strided_slice %add3A_309 {offsets = [0, 128], sizes = [1024, 64], strides = [1, 1]} : vector<1024x192xf32> to vector<1024x64xf32>
    %mul3A_330 = arith.mulf %logistic3A_318, %slice3A_329 : vector<1024x64xf32>
    %add3A_331 = arith.addf %slice3A_328, %mul3A_330 : vector<1024x64xf32>
    %tanh3A_332 = math.tanh %add3A_331 : vector<1024x64xf32>
    %sub3A_333 = arith.constant 1.000000e+00 : f32
    %sub3A_334 = vector.broadcast %sub3A_333 : f32 to vector<1024x64xf32>
    %sub3A_335 = arith.subf %sub3A_334, %logistic3A_327 : vector<1024x64xf32>
    %mul3A_336 = arith.mulf %sub3A_335, %tanh3A_332 : vector<1024x64xf32>
    %mul3A_337 = arith.mulf %logistic3A_327, %reshape3A_305 : vector<1024x64xf32>
    %add3A_338 = arith.addf %mul3A_336, %mul3A_337 : vector<1024x64xf32>
    %reshape3A_339 = vector.shape_cast %add3A_338 : vector<1024x64xf32> to vector<2x512x64xf32>
    %reduce_max3A_340 = arith.constant dense<0xFF800000> : vector<512x64xf32>
    %reduce_max3A_341 = vector.multi_reduction <maximumf>, %reshape3A_339, %reduce_max3A_340 [0] : vector<2x512x64xf32> to vector<512x64xf32>
    %max3A_342 = arith.maximumf %max3A_246, %reduce_max3A_341 : vector<512x64xf32>
    %get3A_343 = arith.constant 0 : index
    %get3A_344 = arith.constant 0 : index
    %get3A_345 = vector.load %arg0[%get3A_343, %get3A_344] : memref<16384x128xf32, #tpu.memory_space<vmem>>, vector<512x128xf32>
    %get3A_346 = arith.constant 0 : index
    %get3A_347 = arith.constant 0 : index
    %get3A_348 = vector.load %arg1[%get3A_346, %get3A_347] : memref<16384x1xi32, #tpu.memory_space<vmem>>, vector<512x1xi32>
    %eq3A_349 = arith.constant 1 : i32
    %eq3A_350 = vector.broadcast %eq3A_349 : i32 to vector<512x1xi32>
    %eq3A_351 = arith.cmpi eq, %get3A_348, %eq3A_350 : vector<512x1xi32>
    %slice3A_352 = vector.extract_strided_slice %get3A_345 {offsets = [0, 64], sizes = [512, 64], strides = [1, 1]} : vector<512x128xf32> to vector<512x64xf32>
    %slice3A_353 = vector.extract_strided_slice %get3A_345 {offsets = [0, 0], sizes = [512, 64], strides = [1, 1]} : vector<512x128xf32> to vector<512x64xf32>
    %broadcast_in_dim3A_354 = vector.shape_cast %eq3A_351 : vector<512x1xi1> to vector<512x1xi1>
    %broadcast_in_dim3A_355 = vector.broadcast %broadcast_in_dim3A_354 : vector<512x1xi1> to vector<512x64xi1>
    %select_n3A_356 = arith.select %broadcast_in_dim3A_355, %slice3A_352, %slice3A_353 : vector<512x64xi1>, vector<512x64xf32>
    %dot_general3A_357 = arith.constant dense<0.000000e+00> : vector<512x192xf32>
    %dot_general3A_358 = tpu.matmul %select_n3A_356, %get3A_1, %dot_general3A_357 {dimension_numbers = #tpu.dot_dimension_numbers<[1], [0], [0], [1], [0, 0, 1, 1], [], []>, transpose_lhs_hint = false} : vector<512x64xf32>, vector<64x192xf32>, vector<512x192xf32> -> vector<512x192xf32>
    %add3A_359 = vector.broadcast %get3A_7 : vector<1x192xf32> to vector<512x192xf32>
    %add3A_360 = arith.addf %dot_general3A_358, %add3A_359 : vector<512x192xf32>
    %dot_general3A_361 = arith.constant dense<0.000000e+00> : vector<1024x64xf32>
    %dot_general3A_362 = tpu.matmul %add3A_338, %get3A_13, %dot_general3A_361 {dimension_numbers = #tpu.dot_dimension_numbers<[1], [0], [0], [1], [0, 0, 1, 1], [], []>, transpose_lhs_hint = false} : vector<1024x64xf32>, vector<64x64xf32>, vector<1024x64xf32> -> vector<1024x64xf32>
    %add3A_363 = vector.broadcast %get3A_16 : vector<1x64xf32> to vector<1024x64xf32>
    %add3A_364 = arith.addf %dot_general3A_362, %add3A_363 : vector<1024x64xf32>
    %tanh3A_365 = math.tanh %add3A_364 : vector<1024x64xf32>
    %mul3A_366 = vector.broadcast %get3A_19 : vector<1x64xf32> to vector<1024x64xf32>
    %mul3A_367 = arith.mulf %tanh3A_365, %mul3A_366 : vector<1024x64xf32>
    %reshape3A_368 = vector.shape_cast %mul3A_367 : vector<1024x64xf32> to vector<1x2x512x64xf32>
    %reduce_sum3A_369 = arith.constant dense<0.000000e+00> : vector<1x2x512xf32>
    %reduce_sum3A_370 = vector.multi_reduction <add>, %reshape3A_368, %reduce_sum3A_369 [3] : vector<1x2x512x64xf32> to vector<1x2x512xf32>
    %broadcast_in_dim3A_371 = vector.shape_cast %reduce_sum3A_370 : vector<1x2x512xf32> to vector<1x2x512x1xf32>
    %tanh3A_372 = math.tanh %broadcast_in_dim3A_371 : vector<1x2x512x1xf32>
    %slice3A_373 = vector.extract_strided_slice %tanh3A_372 {offsets = [0, 0, 0, 0], sizes = [1, 1, 512, 1], strides = [1, 1, 1, 1]} : vector<1x2x512x1xf32> to vector<1x1x512x1xf32>
    %squeeze3A_374 = vector.shape_cast %slice3A_373 : vector<1x1x512x1xf32> to vector<1x512x1xf32>
    %slice3A_375 = vector.extract_strided_slice %tanh3A_372 {offsets = [0, 1, 0, 0], sizes = [1, 1, 512, 1], strides = [1, 1, 1, 1]} : vector<1x2x512x1xf32> to vector<1x1x512x1xf32>
    %squeeze3A_376 = vector.shape_cast %slice3A_375 : vector<1x1x512x1xf32> to vector<1x512x1xf32>
    %sub3A_377 = arith.subf %squeeze3A_374, %squeeze3A_376 : vector<1x512x1xf32>
    %logistic3A_378 = arith.negf %sub3A_377 : vector<1x512x1xf32>
    %logistic3A_379 = math.exp %logistic3A_378 : vector<1x512x1xf32>
    %logistic3A_380 = arith.constant 1.000000e+00 : f32
    %logistic3A_381 = vector.broadcast %logistic3A_380 : f32 to vector<1x512x1xf32>
    %logistic3A_382 = arith.addf %logistic3A_381, %logistic3A_379 : vector<1x512x1xf32>
    %logistic3A_383 = arith.divf %logistic3A_381, %logistic3A_382 : vector<1x512x1xf32>
    %sub3A_384 = arith.subf %squeeze3A_376, %squeeze3A_374 : vector<1x512x1xf32>
    %logistic3A_385 = arith.negf %sub3A_384 : vector<1x512x1xf32>
    %logistic3A_386 = math.exp %logistic3A_385 : vector<1x512x1xf32>
    %logistic3A_387 = arith.constant 1.000000e+00 : f32
    %logistic3A_388 = vector.broadcast %logistic3A_387 : f32 to vector<1x512x1xf32>
    %logistic3A_389 = arith.addf %logistic3A_388, %logistic3A_386 : vector<1x512x1xf32>
    %logistic3A_390 = arith.divf %logistic3A_388, %logistic3A_389 : vector<1x512x1xf32>
    %reshape3A_391 = vector.shape_cast %add3A_338 : vector<1024x64xf32> to vector<1x2x512x64xf32>
    %slice3A_392 = vector.extract_strided_slice %reshape3A_391 {offsets = [0, 0, 0, 0], sizes = [1, 1, 512, 64], strides = [1, 1, 1, 1]} : vector<1x2x512x64xf32> to vector<1x1x512x64xf32>
    %squeeze3A_393 = vector.shape_cast %slice3A_392 : vector<1x1x512x64xf32> to vector<1x512x64xf32>
    %mul3A_394 = vector.broadcast %logistic3A_383 : vector<1x512x1xf32> to vector<1x512x64xf32>
    %mul3A_395 = arith.mulf %squeeze3A_393, %mul3A_394 : vector<1x512x64xf32>
    %slice3A_396 = vector.extract_strided_slice %reshape3A_391 {offsets = [0, 1, 0, 0], sizes = [1, 1, 512, 64], strides = [1, 1, 1, 1]} : vector<1x2x512x64xf32> to vector<1x1x512x64xf32>
    %squeeze3A_397 = vector.shape_cast %slice3A_396 : vector<1x1x512x64xf32> to vector<1x512x64xf32>
    %mul3A_398 = vector.broadcast %logistic3A_390 : vector<1x512x1xf32> to vector<1x512x64xf32>
    %mul3A_399 = arith.mulf %squeeze3A_397, %mul3A_398 : vector<1x512x64xf32>
    %add3A_400 = arith.addf %mul3A_395, %mul3A_399 : vector<1x512x64xf32>
    %reshape3A_401 = vector.shape_cast %add3A_400 : vector<1x512x64xf32> to vector<512x64xf32>
    %dot_general3A_402 = arith.constant dense<0.000000e+00> : vector<512x192xf32>
    %dot_general3A_403 = tpu.matmul %reshape3A_401, %get3A_4, %dot_general3A_402 {dimension_numbers = #tpu.dot_dimension_numbers<[1], [0], [0], [1], [0, 0, 1, 1], [], []>, transpose_lhs_hint = false} : vector<512x64xf32>, vector<64x192xf32>, vector<512x192xf32> -> vector<512x192xf32>
    %add3A_404 = vector.broadcast %get3A_10 : vector<1x192xf32> to vector<512x192xf32>
    %add3A_405 = arith.addf %dot_general3A_403, %add3A_404 : vector<512x192xf32>
    %slice3A_406 = vector.extract_strided_slice %add3A_360 {offsets = [0, 0], sizes = [512, 64], strides = [1, 1]} : vector<512x192xf32> to vector<512x64xf32>
    %slice3A_407 = vector.extract_strided_slice %add3A_405 {offsets = [0, 0], sizes = [512, 64], strides = [1, 1]} : vector<512x192xf32> to vector<512x64xf32>
    %add3A_408 = arith.addf %slice3A_406, %slice3A_407 : vector<512x64xf32>
    %logistic3A_409 = arith.negf %add3A_408 : vector<512x64xf32>
    %logistic3A_410 = math.exp %logistic3A_409 : vector<512x64xf32>
    %logistic3A_411 = arith.constant 1.000000e+00 : f32
    %logistic3A_412 = vector.broadcast %logistic3A_411 : f32 to vector<512x64xf32>
    %logistic3A_413 = arith.addf %logistic3A_412, %logistic3A_410 : vector<512x64xf32>
    %logistic3A_414 = arith.divf %logistic3A_412, %logistic3A_413 : vector<512x64xf32>
    %slice3A_415 = vector.extract_strided_slice %add3A_360 {offsets = [0, 64], sizes = [512, 64], strides = [1, 1]} : vector<512x192xf32> to vector<512x64xf32>
    %slice3A_416 = vector.extract_strided_slice %add3A_405 {offsets = [0, 64], sizes = [512, 64], strides = [1, 1]} : vector<512x192xf32> to vector<512x64xf32>
    %add3A_417 = arith.addf %slice3A_415, %slice3A_416 : vector<512x64xf32>
    %logistic3A_418 = arith.negf %add3A_417 : vector<512x64xf32>
    %logistic3A_419 = math.exp %logistic3A_418 : vector<512x64xf32>
    %logistic3A_420 = arith.constant 1.000000e+00 : f32
    %logistic3A_421 = vector.broadcast %logistic3A_420 : f32 to vector<512x64xf32>
    %logistic3A_422 = arith.addf %logistic3A_421, %logistic3A_419 : vector<512x64xf32>
    %logistic3A_423 = arith.divf %logistic3A_421, %logistic3A_422 : vector<512x64xf32>
    %slice3A_424 = vector.extract_strided_slice %add3A_360 {offsets = [0, 128], sizes = [512, 64], strides = [1, 1]} : vector<512x192xf32> to vector<512x64xf32>
    %slice3A_425 = vector.extract_strided_slice %add3A_405 {offsets = [0, 128], sizes = [512, 64], strides = [1, 1]} : vector<512x192xf32> to vector<512x64xf32>
    %mul3A_426 = arith.mulf %logistic3A_414, %slice3A_425 : vector<512x64xf32>
    %add3A_427 = arith.addf %slice3A_424, %mul3A_426 : vector<512x64xf32>
    %tanh3A_428 = math.tanh %add3A_427 : vector<512x64xf32>
    %sub3A_429 = arith.constant 1.000000e+00 : f32
    %sub3A_430 = vector.broadcast %sub3A_429 : f32 to vector<512x64xf32>
    %sub3A_431 = arith.subf %sub3A_430, %logistic3A_423 : vector<512x64xf32>
    %mul3A_432 = arith.mulf %sub3A_431, %tanh3A_428 : vector<512x64xf32>
    %mul3A_433 = arith.mulf %logistic3A_423, %reshape3A_401 : vector<512x64xf32>
    %add3A_434 = arith.addf %mul3A_432, %mul3A_433 : vector<512x64xf32>
    %reshape3A_435 = vector.shape_cast %add3A_434 : vector<512x64xf32> to vector<1x512x64xf32>
    %reduce_max3A_436 = arith.constant dense<0xFF800000> : vector<512x64xf32>
    %reduce_max3A_437 = vector.multi_reduction <maximumf>, %reshape3A_435, %reduce_max3A_436 [0] : vector<1x512x64xf32> to vector<512x64xf32>
    %max3A_438 = arith.maximumf %max3A_342, %reduce_max3A_437 : vector<512x64xf32>
    %swap3A = arith.constant 0 : index
    %swap3A_439 = arith.constant 0 : index
    %swap3A_440 = vector.load %arg9[%swap3A, %swap3A_439] : memref<512x64xf32, #tpu.memory_space<vmem>>, vector<512x64xf32>
    tpu.vector_store %arg9[%swap3A, %swap3A_439], %max3A_438 {strides = array<i32>} : memref<512x64xf32, #tpu.memory_space<vmem>>, vector<512x64xf32>,
    return
  }
}

</mosaic_0001>

<sc_bundles>
// kernel: kernel.4.cloned.1.call-start
scs
__scs_entry_jumppad:
0x0: {  	(pc) =	sbr.rel $0x88, $3  }
0x1: {  	(tag) =	ssettag $0x0;
	lr =	simm.s32 $0x1  }
0x2: {  	[smem:$0x3F98] =	sst lr;
	_ =	strace $0xD0000000  }
0x3: {  	_ = 	snop  }
0x4: {  	_ = 	snop  }
0x5: {  	_ = 	snop  }
0x6: {  	_ = 	snop  }
0x7: {  	_ = 	snop  }
__scs_overlays_trampoline_lowered:
0x8: {  	[smem:$0x3FA7] =	sst s0  }
0x9: {  	[smem:$0x3FA8] =	sst s1  }
0xa: {  	[smem:$0x3FA9] =	sst s2  }
0xb: {  	[smem:$0x3FAA] =	sst s3  }
0xc: {  	[smem:$0x3FAB] =	sst s4  }
0xd: {  	[smem:$0x3FAC] =	sst s5  }
0xe: {  	[smem:$0x3FAD] =	sst s6  }
0xf: {  	[smem:$0x3FAE] =	sst s7  }
0x10: {  	[smem:$0x3FAF] =	sst s8  }
0x11: {  	[smem:$0x3FB0] =	sst s9;
	s0 =	simm.s32 @!p0 $0x0  }
0x12: {  	s1 =	sld [smem:$0x3F96];
	s0 =	simm.s32 @p0 $0x1  }
0x13: {  	[smem:$0x3FB1] =	sst s0;
	s0 =	simm.s32 @!p1 $0x0  }
0x14: {  	s2 =	sld [smem:$0x3F95];
	s0 =	simm.s32 @p1 $0x1  }
0x15: {  	[smem:$0x3FB2] =	sst s0;
	s0 =	simm.s32 @!p2 $0x0  }
0x16: {  	s3 =	sld [smem:$0x3FDB];
	s0 =	simm.s32 @p2 $0x1  }
0x17: {  	s4 =	simm.s32 $0x1BF5;
	[smem:$0x3FB4] =	sst s0  }
0x18: {  	s0 =	sld [smem:$0x3F97];
	_ =	swait.ge [sflag:s4], $0x0  }
0x19: {  	s7 =	sld [smem:$0x3F98]  }
0x1a: {  	s8 =	sadd.s32 $0xFFFFE003, lr  }
0x1b: {  	s9 =	sadd.s32 $0xFFFFFEF7, lr;
	s5 =	simm.s32 $0xFFFFFFFF;
	p2 =	slt.u32 s8, $0xFFFFF086  }
0x1c: {  	p1 =	slt.u32 s9, $0xF7A;
	s5 =	simm.s32 @!p2 $0x0  }
0x1d: {  	s5 =	simm.s32 @p1 $0x1;
	p0 =	seq.s32 s7, s2  }
0x1e: {  	s7 =	smul.u32 @!p0 $0xF7A, s2;
	p2 =	seq.s32 @!p0 s5, $0x0  }
0x1f: {  	s9 =	smul.u32 $0xF7A, s1;
	s8 =	simm.s32 @!p0 $0x1BF5;
	p2 =	por !p2, p0  }
0x20: {  	[sflag:s8] =	ssyncset.s32 @!p0 $0xFFFFF086;
	s6 =	sadd.s32 @!p0 s3, s7;
	s7 =	simm.s32 @!p0 $0x108  }
0x21: {  	s3 =	sadd.s32 s3, s9;
	s6 =	sadd.s32 @!p0 $0x88, s6;
	s7 =	simm.s32 @p2 $0x1082  }
0x22: {  	[simem:s7], [sflag:s8] =	dma.local @!p0 [hbm:s6], $0xF7A  }
0x23: {  	s9 =	sor.u32 $0xD0000000, s2;
	s6 =	simm.s32 $0x108;
	_ =	swait.ge @!p0 [sflag:s8], $0x0  }
0x24: {  	s3 =	sadd.s32 $0x88, s3;
	s6 =	simm.s32 @!p1 $0x1082;
	[sflag:s4] =	ssyncset.s32 $0xFFFFF086  }
0x25: {  	[simem:s6], [sflag:s4] =	dma.local [hbm:s3], $0xF7A  }
0x26: {  	[smem:$0x3F98] =	sst s1;
	(tag) =	ssettag s2;
	_ =	strace s9  }
0x27: {  	s1 =	sld [smem:$0x3FA8]  }
0x28: {  	s2 =	sld [smem:$0x3FA9]  }
0x29: {  	s4 =	sld [smem:$0x3FAB]  }
0x2a: {  	p0 =	seq.s32 s5, $0x0;
	s5 =	sld [smem:$0x3FAC]  }
0x2b: {  	s6 =	sld [smem:$0x3FAD]  }
0x2c: {  	s7 =	sld [smem:$0x3FAE]  }
0x2d: {  	s3 =	simm.s32 $0x108;
	s8 =	sld [smem:$0x3FAF]  }
0x2e: {  	s3 =	simm.s32 @!p0 $0x1082;
	s9 =	sld [smem:$0x3FB0]  }
0x2f: {  	lr =	sadd.s32 s0, s3;
	s0 =	sld [smem:$0x3FA7]  }
0x30: {  	s3 =	sld [smem:$0x3FAA]  }
0x31: {  	[smem:$0x3FB3] =	sst s10  }
0x32: {  	s10 =	sld [smem:$0x3FB1];
	_ =	sdelay $0x3  }
0x33: {  	p0 =	seq.s32 s10, $0x1;
	s10 =	sld [smem:$0x3FB3];
	_ =	sdelay $0x3  }
0x34: {  	[smem:$0x3FB3] =	sst s10  }
0x35: {  	s10 =	sld [smem:$0x3FB2];
	_ =	sdelay $0x3  }
0x36: {  	p1 =	seq.s32 s10, $0x1;
	s10 =	sld [smem:$0x3FB3];
	_ =	sdelay $0x3  }
0x37: {  	[smem:$0x3FB3] =	sst s10  }
0x38: {  	s10 =	sld [smem:$0x3FB4]  }
0x39: {  	_ = 	snop;
	(pc) =	sbr.ind lr, $3  }
0x3a: {  	_ = 	snop  }
0x3b: {  	_ = 	snop  }
0x3c: {  	p2 =	seq.s32 s10, $0x1;
	s10 =	sld [smem:$0x3FB3]  }
0x3d: {  	_ =	shalt  }
0x3e: {  	_ =	shalt  }
0x3f: {  	_ =	shalt  }
0x40: {  	_ =	shalt  }
0x41: {  	_ =	shalt  }
0x42: {  	_ =	shalt  }
0x43: {  	_ =	shalt  }
0x44: {  	_ =	shalt  }
0x45: {  	_ =	shalt  }
0x46: {  	_ =	shalt  }
0x47: {  	_ =	shalt  }
0x48: {  	_ =	shalt  }
0x49: {  	_ =	shalt  }
0x4a: {  	_ =	shalt  }
0x4b: {  	_ =	shalt  }
0x4c: {  	_ =	shalt  }
0x4d: {  	_ =	shalt  }
0x4e: {  	_ =	shalt  }
0x4f: {  	_ =	shalt  }
0x50: {  	_ =	shalt  }
0x51: {  	_ =	shalt  }
0x52: {  	_ =	shalt  }
0x53: {  	_ =	shalt  }
0x54: {  	_ =	shalt  }
0x55: {  	_ =	shalt  }
0x56: {  	_ =	shalt  }
0x57: {  	_ =	shalt  }
0x58: {  	_ =	shalt  }
0x59: {  	_ =	shalt  }
0x5a: {  	_ =	shalt  }
0x5b: {  	_ =	shalt  }
0x5c: {  	_ =	shalt  }
0x5d: {  	_ =	shalt  }
0x5e: {  	_ =	shalt  }
0x5f: {  	_ =	shalt  }
0x60: {  	_ =	shalt  }
0x61: {  	_ =	shalt  }
0x62: {  	_ =	shalt  }
0x63: {  	_ =	shalt  }
0x64: {  	_ =	shalt  }
0x65: {  	_ =	shalt  }
0x66: {  	_ =	shalt  }
0x67: {  	_ =	shalt  }
0x68: {  	_ =	shalt  }
0x69: {  	_ =	shalt  }
0x6a: {  	_ =	shalt  }
0x6b: {  	_ =	shalt  }
0x6c: {  	_ =	shalt  }
0x6d: {  	_ =	shalt  }
0x6e: {  	_ =	shalt  }
0x6f: {  	_ =	shalt  }
0x70: {  	_ =	shalt  }
0x71: {  	_ =	shalt  }
0x72: {  	_ =	shalt  }
0x73: {  	_ =	shalt  }
0x74: {  	_ =	shalt  }
0x75: {  	_ =	shalt  }
0x76: {  	_ =	shalt  }
0x77: {  	_ =	shalt  }
0x78: {  	_ =	shalt  }
0x79: {  	_ =	shalt  }
0x7a: {  	_ =	shalt  }
0x7b: {  	_ =	shalt  }
0x7c: {  	_ =	shalt  }
0x7d: {  	_ =	shalt  }
0x7e: {  	_ =	shalt  }
0x7f: {  	_ =	shalt  }
0x80: {  	_ =	shalt  }
0x81: {  	_ =	shalt  }
0x82: {  	_ =	shalt  }
0x83: {  	_ =	shalt  }
0x84: {  	_ =	shalt  }
0x85: {  	_ =	shalt  }
0x86: {  	_ =	shalt  }
0x87: {  	_ =	shalt  }
.Lfunc_end0:
.L_simem_size_0:
called_computation_lowered:
.L_overlay_start_0:
0x88: {  	s2 =	sld [smem:$0x3FD9]  }
0x89: {  	s3 =	sld [smem:$0x3FFE];
	_ =	sdelay $0x1  }
0x8a: {  	s1 =	srdreg.scid  }
0x8b: {  	s0 =	sand.u32 $0x1, s1  }
0x8c: {  	s17 =	sshll.u32 s0, $0xA;
	s2 =	sadd.s32 s3, s2  }
0x8d: {  	s2 =	sadd.s32 s2, s17  }
0x8e: {  	[smem:$0x3FBF] =	sst s2  }
0x8f: {  	_ = 	snop  }
0x90: {  	s2 =	sld [smem:$0x3FD0];
	(tm) =	ssettm $0x1  }
0x91: {  	s18 =	sld [smem:$0x3FFB];
	_ =	sdelay $0x3  }
0x92: {  	_ =	strace s18  }
0x93: {  	s3 =	sld [smem:$0x3FFC];
	_ =	sdelay $0x3  }
0x94: {  	_ =	strace s3  }
0x95: {  	s3 =	sld [smem:$0x3FFD];
	_ =	sdelay $0x3  }
0x96: {  	_ =	strace s3  }
0x97: {  	_ =	strace $0x8FFFFFFF  }
0x98: {  	s19 =	sld [smem:$0x3FDB];
	_ =	sdelay $0x1  }
0x99: {  	s4 =	simm.s32 $_scs_section_size  }
0x9a: {  	s5 =	simm.s32 $_size__tile_overlayer_lowered;
	s6 =	simm.s32 $_tile_overlayer_lowered  }
0x9b: {  	s22 =	simm.s32 $0x1BFF;
	s21 =	sshll.u32 s6, $0x1;
	s3 =	sadd.s32 s4, s19  }
0x9c: {  	s7 =	simm.s32 $0x0;
	s20 =	sshll.u32 s5, $0x1;
	s5 =	sadd.s32 s21, s3  }
0x9d: {  	[timem:s7], [sflag:s22] =	dma.local [hbm:s5], s20  }
0x9e: {  	_ =	swait.ge [sflag:s22], s20  }
0x9f: {  	s4 =	ssub.s32 $0x0, s20;
	[sflag:s22] =	ssyncset.done $0x0  }
0xa0: {  	[sflag:s22] =	ssyncadd.s32 s4;
	_ =	sdelay $0x1  }
0xa1: {  	s23 =	simm.s32 $0x1B8B  }
0xa2: {  	_ =	swait.ge [sflag:s23], $0x1  }
0xa3: {  	[sflag:s23] =	ssyncset.done $0x0  }
0xa4: {  	s25 =	simm.s32 $0x1B8E;
	s24 =	sld [smem:$0x3FFE];
	[sflag:s23] =	ssyncadd.s32 $0xFFFFFFFF  }
0xa5: {  	s26 =	simm.s32 $execute0_lowered;
	[smem:$0x3FD2] =	sst s25  }
0xa6: {  	s5 =	sshll.u32 s26, $0x1;
	_ =	strace $0x80000046;
	[dreg:$0x1] =	wrdreg $0xFFFFFFFF  }
0xa7: {  	s28 =	simm.s32 $_size_execute0_lowered;
	s3 =	sadd.s32 s3, s5;
	[dreg:$0x0] =	wrdreg $0x0  }
0xa8: {  	s5 =	sshll.u32 s28, $0x1;
	[dreg:$0x2] =	wrdreg s3  }
0xa9: {  	[dreg:$0x3] =	wrdreg s5  }
0xaa: {  	[dreg:$0x4] =	wrdreg $0xC0  }
0xab: {  	_ =	task [dreg:s7], $0x5FFFF  }
0xac: {  	[dreg:$0x1] =	wrdreg $0xFFFFFFFF  }
0xad: {  	[dreg:$0x0] =	wrdreg $0x60  }
0xae: {  	[dreg:$0x2] =	wrdreg s24  }
0xaf: {  	[dreg:$0x3] =	wrdreg s2  }
0xb0: {  	[dreg:$0x4] =	wrdreg $0x9  }
0xb1: {  	_ =	task.clear_ibuf [dreg:s7], $0x5FFFF;
	_ =	strace $0x90000046  }
0xb2: {  	s29 =	simm.s32 $0x9;
	_ =	strace $0x80000048  }
0xb3: {  	_ =	swait.ge [sflag:s29], $0x1  }
0xb4: {  	[sflag:s29] =	ssyncadd.s32 $0xFFFFFFFF  }
0xb5: {  	_ =	strace $0x90000048  }
0xb6: {  	_ =	sfence  }
0xb7: {  	s30 =	sld [smem:$0x0];
	_ =	sdelay $0x2  }
0xb8: {  	s31 =	sshll.u32 s1, $0xD;
	s1 =	sshrl.u32 s1, $0x2  }
0xb9: {  	s3 =	sand.u32 $0x4000, s31;
	s1 =	sadd.s32 s1, s30  }
0xba: {  	s0 =	sor.u32 s3, s0;
	s1 =	sshll.u32 s1, $0x11  }
0xbb: {  	s0 =	sor.u32 s1, s0  }
0xbc: {  	s0 =	sadd.s32 $0x8F2B, s0  }
0xbd: {  	[sflag:s0] =	ssyncadd.remote.s32 $0x1  }
0xbe: {  	_ =	sfence.sel $0xFFFF  }
0xbf: {  	[dreg:$0x0] =	wrdreg $0xFFFFFFFF;
	(pc) =	sbr.abs _section_cstart, $3  }
0xc0: {  	[dreg:$0x1] =	wrdreg $0xFFFFFFFF  }
0xc1: {  	_ =	task.clear_ibuf [dreg:s7], $0x2FFFF;
	_ =	strace $0x9FFFFFFF  }
0xc2: {  	(tm) =	ssettm $0x7FFFFFFF  }
0xc3: {  	_ =	shalt  }
tec
execute0_lowered:
.L_overlay_start_1:
0x0: {  	(tag) =	ssettag $0x1  }
0x1: {  	s1 =	srdreg.scid  }
0x2: {  	s14 =	rddreg [dreg:$0x0];
	s0 =	stileid.u32;
	s15 =	sand.u32 $0x1, s1  }
0x3: {  	s3 =	rddreg [dreg:$0x1];
	s4 =	sshll.u32 s0, $0xA;
	s5 =	sshll.u32 s15, $0x9  }
0x4: {  	s2 =	simm.s32 $0x0;
	s1 =	rddreg [dreg:$0x2];
	s16 =	sor.u32 s5, s4  }
0x5: {  	[smem:$0x7FF] =	sst s2;
	s4 =	sshrl.u32 s16, $0x3  }
0x6: {  	_ =	strace $0x80000047;
	s4 =	sadd.s32 s3, s4;
	s3 =	simm.s32 $0x2  }
0x7: {  	[tilespmem:s2], [sflag:$0x2] =	stream.linear.gather [hbm4b:s4+s2], $0x200, $0x38;
	[tilespmem:$0x10200] =	vst v63  }
0x8: {  	_ =	swait.ge [sflag:s3], $0x200  }
0x9: {  	s6 =	simm.s32 $0x80;
	[sflag:s3] =	ssyncset.done $0x0  }
0xa: {  	s7 =	simm.s32 $0x200;
	s5 =	sadd.s32 $0xF43C00, s14;
	[sflag:s3] =	ssyncadd.s32 $0xFFFFFE00  }
0xb: {  	[tilespmem:s7], [sflag:$0x1] =	stream.indirect.gather [hbm4b:s5+s6], $0x80, s2, s6, $0xb8;
	[tilespmem:$0x10200] =	vst v63  }
0xc: {  	s8 =	simm.s32 $0x4200  }
0xd: {  	[tilespmem:s8], [sflag:$0x1] =	stream.indirect.gather [hbm4b:s5+s6], $0x80, s6, s6, $0xb8;
	[tilespmem:$0x10200] =	vst v63  }
0xe: {  	s9 =	simm.s32 $0x100;
	s10 =	simm.s32 $0x8200  }
0xf: {  	[tilespmem:s10], [sflag:$0x1] =	stream.indirect.gather [hbm4b:s5+s6], $0x80, s9, s6, $0xb8;
	[tilespmem:$0x10200] =	vst v63  }
0x10: {  	s11 =	simm.s32 $0x180;
	s12 =	simm.s32 $0xC200;
	s13 =	simm.s32 $0x1  }
0x11: {  	[tilespmem:s12], [sflag:$0x1] =	stream.indirect.gather [hbm4b:s5+s6], $0x80, s11, s6, $0xb8;
	[tilespmem:$0x10200] =	vst v63  }
0x12: {  	_ =	swait.ge [sflag:s13], $0x4000  }
0x13: {  	[sflag:s13] =	ssyncset.done $0x0  }
0x14: {  	[sflag:s13] =	ssyncadd.s32 $0xFFFFC000  }
0x15: {  	_ =	swait.ge [sflag:s13], $0x4000  }
0x16: {  	[sflag:s13] =	ssyncset.done $0x0  }
0x17: {  	s15 =	ssub.s32 $0x2, s15;
	[sflag:s13] =	ssyncadd.s32 $0xFFFFC000  }
0x18: {  	s17 =	sshrl.u32 s15, $0x1;
	_ =	swait.ge [sflag:s13], $0x4000  }
0x19: {  	s15 =	ssub.s32 s15, s17;
	[sflag:s13] =	ssyncset.done $0x0  }
0x1a: {  	s15 =	smax.u32 s15, $0x1;
	[sflag:s13] =	ssyncadd.s32 $0xFFFFC000  }
0x1b: {  	s16 =	sshll.u32 s16, $0x4;
	p0 =	sne.s32 s15, $0x1;
	_ =	swait.ge [sflag:s13], $0x4000  }
.Ltmp0:
0x1c: {  	s14 =	sadd.s32 s16, s14;
	[sflag:s13] =	ssyncset.done $0x0;
	(pc) =	sbr.rel @!p0 .LBB2_2-.Ltmp0, $4  }
0x1d: {  	s14 =	sadd.s32 $0x1800, s14;
	[sflag:s13] =	ssyncadd.s32 $0xFFFFC000  }
0x1e: {  	[hbm4b:s14+s2] =	stream.linear.scatter [tilespmem:s7], [sflag:$0x2], $0x10000, $0x38;
	[tilespmem:$0x10200] =	vst v63  }
0x1f: {  	_ =	swait.ge [sflag:s3], $0x10000  }
0x20: {  	s15 =	sadd.s32 $0xFFFFFFFF, s15;
	[sflag:s3] =	ssyncset.done $0x0  }
.LBB2_1:
0x21: {  	p0 =	sne.s32 s15, $0x1;
	s15 =	sadd.s32 $0xFFFFFFFF, s15;
	[sflag:s3] =	ssyncadd.s32 $0xFFFF0000  }
0x22: {  	[tilespmem:s2], [sflag:$0x2] =	stream.linear.gather [hbm4b:s4+s2], $0x200, $0x38;
	[tilespmem:$0x10200] =	vst v63  }
0x23: {  	_ =	swait.ge [sflag:s3], $0x200  }
0x24: {  	[sflag:s3] =	ssyncset.done $0x0  }
0x25: {  	[sflag:s3] =	ssyncadd.s32 $0xFFFFFE00  }
0x26: {  	[tilespmem:s7], [sflag:$0x1] =	stream.indirect.gather [hbm4b:s5+s6], $0x80, s2, s6, $0xb8;
	[tilespmem:$0x10200] =	vst v63  }
0x27: {  	_ = 	snop  }
0x28: {  	[tilespmem:s8], [sflag:$0x1] =	stream.indirect.gather [hbm4b:s5+s6], $0x80, s6, s6, $0xb8;
	[tilespmem:$0x10200] =	vst v63  }
0x29: {  	_ = 	snop  }
0x2a: {  	[tilespmem:s10], [sflag:$0x1] =	stream.indirect.gather [hbm4b:s5+s6], $0x80, s9, s6, $0xb8;
	[tilespmem:$0x10200] =	vst v63  }
0x2b: {  	_ = 	snop  }
0x2c: {  	[tilespmem:s12], [sflag:$0x1] =	stream.indirect.gather [hbm4b:s5+s6], $0x80, s11, s6, $0xb8;
	[tilespmem:$0x10200] =	vst v63  }
0x2d: {  	_ =	swait.ge [sflag:s13], $0x4000  }
0x2e: {  	[sflag:s13] =	ssyncset.done $0x0  }
0x2f: {  	[sflag:s13] =	ssyncadd.s32 $0xFFFFC000  }
0x30: {  	_ =	swait.ge [sflag:s13], $0x4000  }
0x31: {  	[sflag:s13] =	ssyncset.done $0x0  }
0x32: {  	[sflag:s13] =	ssyncadd.s32 $0xFFFFC000  }
0x33: {  	_ =	swait.ge [sflag:s13], $0x4000  }
0x34: {  	[sflag:s13] =	ssyncset.done $0x0  }
0x35: {  	[sflag:s13] =	ssyncadd.s32 $0xFFFFC000  }
0x36: {  	_ =	swait.ge [sflag:s13], $0x4000  }
.Ltmp1:
0x37: {  	[sflag:s13] =	ssyncset.done $0x0;
	(pc) =	sbr.rel @p0 .LBB2_1-.Ltmp1, $4  }
0x38: {  	[sflag:s13] =	ssyncadd.s32 $0xFFFFC000  }
0x39: {  	[hbm4b:s14+s2] =	stream.linear.scatter [tilespmem:s7], [sflag:$0x2], $0x10000, $0x38;
	[tilespmem:$0x10200] =	vst v63  }
0x3a: {  	_ =	swait.ge [sflag:s3], $0x10000  }
0x3b: {  	[sflag:s3] =	ssyncset.done $0x0  }
.LBB2_2:
0x3c: {  	[sflag:s3] =	ssyncadd.s32 $0xFFFF0000  }
0x3d: {  	_ =	sfence.sel $0x180000  }
0x3e: {  	[bflag:$0x0] =	sbarrier.arrive $0xFFFF  }
0x3f: {  	p0 =	sne.s32 s0, $0x0;
	_ =	strace $0x90000047  }
0x40: {  	s0 =	sadd.s32 @!p0 $0x100000, s1;
	[bflag:$0x2] =	sbarrier.arrive $0xFFFF  }
0x41: {  	[sflag:s0] =	ssyncadd.tile.s32 @!p0 $0x1;
	_ =	shalt  }
.Lfunc_end2:
_tile_overlayer_lowered:
.L_overlay_start_2:
0x42: {  	(tag) =	ssettag $0x2  }
0x43: {  	s0 =	rddreg [dreg:$0x0];
	s2 =	stileid.u32  }
0x44: {  	s1 =	rddreg [dreg:$0x1];
	p0 =	sne.s32 s2, $0x0  }
0x45: {  	s3 =	rddreg [dreg:$0x2];
	[bflag:$0x3] =	sbarrier.arrive $0xFFFF;
	s2 =	simm.s32 @!p0 $0x1C02  }
0x46: {  	[timem:s3], [sflag:s2] =	dma.local @!p0 [hbm:s0], s1  }
0x47: {  	s0 =	simm.s32 @!p0 $0x2  }
0x48: {  	_ =	swait.ge @!p0 [sflag:s0], s1  }
0x49: {  	s1 =	ssub.s32 @!p0 $0x0, s1;
	[sflag:s0] =	ssyncset.done @!p0 $0x0  }
0x4a: {  	[sflag:s0] =	ssyncadd.s32 @!p0 s1  }
0x4b: {  	[bflag:$0x3] =	sbarrier.arrive $0xFFFF  }
0x4c: {  	_ =	shalt  }

</sc_bundles>
